<compile_context>
chip_gen: v7x
topology: tpu7x:2x2x1
jax: 0.10.2.dev20260603
libtpu: 0.0.44.dev20260713+nightly
codegen_flags: <defaults>
</compile_context>

<pallas_src>
import functools

import jax
import jax.numpy as jnp
from jax import lax
from jax.experimental import pallas as pl
from jax.experimental.pallas import tpu as pltpu
from jax.experimental.pallas import tpu_sc as plsc

NC = 2
NS = 16
NW = NC * NS
L = 16

_SC_PARAMS = pltpu.CompilerParams(needs_layout_passes=False,
                                  use_tc_tiling_on_sc=True)


@functools.partial(jax.jit, static_argnames=("V", "D"))
def _sc_transpose(eu_t, ev_t, tail_u, tail_v, *, V, D):
    WB = 256
    NB = V // WB
    NBPW = (NB + NW - 1) // NW
    mesh = plsc.VectorSubcoreMesh(core_axis_name="c", subcore_axis_name="s")

    @functools.partial(
        pl.kernel,
        out_type=(jax.ShapeDtypeStruct((V // 2, 128), jnp.float32),
                  jax.ShapeDtypeStruct((V // 2, 128), jnp.float32)),
        mesh=mesh,
        compiler_params=_SC_PARAMS,
        scratch_types=[
            pltpu.VMEM((D, WB), jnp.float32),
            pltpu.VMEM((D, WB), jnp.float32),
            pltpu.VMEM((WB // 2, 128), jnp.float32),
            pltpu.VMEM((WB // 2, 128), jnp.float32),
            pltpu.SemaphoreType.DMA,
            pltpu.SemaphoreType.DMA,
        ],
    )
    def k(eu_hbm, ev_hbm, tlu_hbm, tlv_hbm, tu_hbm, tv_hbm,
          in0, in1, o0, o1, sin, sout):
        wid = lax.axis_index("s") * NC + lax.axis_index("c")
        iota = lax.iota(jnp.int32, L)

        def transpose_block(src, dst, nw):
            def grp(g, carry):
                wl = g * L + iota
                prow = wl >> 1
                pcol = (wl & 1) << 6

                def dstep(dd):
                    rd = (dd + iota) & (D - 1)
                    val = plsc.load_gather(src, [rd, wl])
                    plsc.store_scatter(dst, [prow, pcol + rd], val)

                plsc.parallel_loop(0, D, unroll=8)(dstep)
                return carry

            lax.fori_loop(0, nw // L, grp, 0)

        for t_hbm, o_hbm in ((eu_hbm, tu_hbm), (ev_hbm, tv_hbm)):
            start = wid * NBPW
            end = jnp.minimum(start + NBPW, NB)
            npair = (end - start + 1) // 2

            def in_copy(bb, buf):
                off = pl.multiple_of(bb * WB, WB)
                return pltpu.make_async_copy(
                    t_hbm.at[:, pl.ds(off, WB)], buf, sin)

            def out_copy(bb, buf):
                off = pl.multiple_of(bb * (WB // 2), WB // 2)
                return pltpu.make_async_copy(
                    buf, o_hbm.at[pl.ds(off, WB // 2)], sout)

            in_copy(start, in0).start()
            in_copy(jnp.minimum(start + 1, end - 1), in1).start()

            def pair(i, carry):
                b0 = start + 2 * i
                b1 = jnp.minimum(b0 + 1, end - 1)
                nb0 = jnp.minimum(b0 + 2, end - 1)
                nb1 = jnp.minimum(b0 + 3, end - 1)

                @pl.when(i > 0)
                def _():
                    out_copy(b0 - 2, o0).wait()
                    out_copy(b1 - 2, o1).wait()

                in_copy(b0, in0).wait()
                transpose_block(in0, o0, WB)
                out_copy(b0, o0).start()
                in_copy(nb0, in0).start()
                in_copy(b1, in1).wait()
                transpose_block(in1, o1, WB)
                out_copy(b1, o1).start()
                in_copy(nb1, in1).start()
                return carry

            lax.fori_loop(0, npair, pair, 0)
            last0 = start + 2 * (npair - 1)
            out_copy(last0, o0).wait()
            out_copy(jnp.minimum(last0 + 1, end - 1), o1).wait()
            in_copy(jnp.minimum(last0 + 2, end - 1), in0).wait()
            in_copy(jnp.minimum(last0 + 3, end - 1), in1).wait()

        @pl.when(wid == NW - 1)
        def _():
            pltpu.sync_copy(tlv_hbm, o0.at[pl.ds(0, 32)])
            pltpu.sync_copy(o0.at[pl.ds(0, 32)],
                            tv_hbm.at[pl.ds(V // 2 - 32, 32)])

        @pl.when(wid == NW - 2)
        def _():
            pltpu.sync_copy(tlu_hbm, o0.at[pl.ds(0, 32)])
            pltpu.sync_copy(o0.at[pl.ds(0, 32)],
                            tu_hbm.at[pl.ds(V // 2 - 32, 32)])

    return k(eu_t, ev_t, tail_u, tail_v)


@functools.partial(jax.jit, static_argnames=("B", "K", "D"))
def _sc_scores(pu2, par_u, pv2, par_v, ng2, par_ng, tu, tv, *, B, K, D):
    RPW = B // NW
    NHC = RPW * K // 128
    mesh = plsc.VectorSubcoreMesh(core_axis_name="c", subcore_axis_name="s")

    @functools.partial(
        pl.kernel,
        out_type=(jax.ShapeDtypeStruct((NW * 8, 128), jnp.float32),
                  jax.ShapeDtypeStruct((NW * 80, 128), jnp.float32)),
        mesh=mesh,
        compiler_params=_SC_PARAMS,
        scratch_types=[
            pltpu.VMEM((8, 128), jnp.int32),
            pltpu.VMEM((8, 128), jnp.int32),
            pltpu.VMEM((80, 128), jnp.int32),
            pltpu.VMEM((8, 128), jnp.int32),
            pltpu.VMEM((8, 128), jnp.int32),
            pltpu.VMEM((40, 128), jnp.int32),
            pltpu.VMEM((RPW, D), jnp.float32),
            pltpu.VMEM((128, 128), jnp.float32),
            pltpu.VMEM((128, 128), jnp.float32),
            pltpu.VMEM((8, 128), jnp.float32),
            pltpu.VMEM((40, 128), jnp.float32),
            pltpu.SemaphoreType.DMA,
            pltpu.SemaphoreType.DMA,
        ],
    )
    def k(pu_hbm, pup_hbm, pv_hbm, pvp_hbm, ng_hbm, ngp_hbm, tu_hbm, tv_hbm,
          out_pos, out_neg,
          pu_idx, pv_idx, ng_idx, par_u, par_v, par_ng,
          u_rows, buf_a, buf_b, s_pos, s_neg, sem_a, sem_b):
        wid = lax.axis_index("s") * NC + lax.axis_index("c")
        iota = lax.iota(jnp.int32, L)
        lrow_u = (wid & 1) * 4

        pltpu.sync_copy(pu_hbm.at[pl.ds(pl.multiple_of((wid >> 1) * 8, 8),
                                        8)], pu_idx)
        pltpu.sync_copy(pv_hbm.at[pl.ds(pl.multiple_of((wid >> 1) * 8, 8),
                                        8)], pv_idx)
        pltpu.sync_copy(ng_hbm.at[pl.ds(pl.multiple_of(wid * 80, 8), 80)],
                        ng_idx)
        pltpu.sync_copy(pup_hbm, par_u)
        pltpu.sync_copy(pvp_hbm, par_v)
        pltpu.sync_copy(ngp_hbm.at[pl.ds(pl.multiple_of((wid >> 3) * 40, 8),
                                         40)], par_ng)

        def par16(buf, row, col):
            pw = plsc.load_gather(buf, [jnp.full((L,), row, jnp.int32),
                                        jnp.full((L,), col, jnp.int32)])
            return ((pw >> iota) & 1) << 6

        def buf_sem(buf):
            return sem_a if buf is buf_a else sem_b

        def round_issue(t_hbm, idx_ref, row, buf):
            return pltpu.async_copy(t_hbm.at[idx_ref.at[row]], buf,
                                    buf_sem(buf))

        def round_wait(t_hbm, idx_ref, row, buf):
            pltpu.make_async_copy(t_hbm.at[idx_ref.at[row]], buf,
                                  buf_sem(buf)).wait()

        def u_round_compact(r, buf):
            def grp(g, carry):
                s_loc = g * L + iota
                gu = wid * 32 + r * 8 + g
                p16 = par16(par_u, gu >> 7, gu & 127)

                def dstep(dd):
                    rd = (dd + iota) & (D - 1)
                    val = plsc.load_gather(buf, [s_loc, p16 + rd])
                    plsc.store_scatter(u_rows, [r * 128 + s_loc, rd], val)

                plsc.parallel_loop(0, D, unroll=8)(dstep)
                return carry

            lax.fori_loop(0, 8, grp, 0)

        round_issue(tu_hbm, pu_idx, lrow_u + 0, buf_a)
        round_issue(tu_hbm, pu_idx, lrow_u + 1, buf_b)
        round_wait(tu_hbm, pu_idx, lrow_u + 0, buf_a)
        u_round_compact(0, buf_a)
        round_wait(tu_hbm, pu_idx, lrow_u + 1, buf_b)
        u_round_compact(1, buf_b)
        round_issue(tu_hbm, pu_idx, lrow_u + 2, buf_a)
        round_issue(tu_hbm, pu_idx, lrow_u + 3, buf_b)
        round_wait(tu_hbm, pu_idx, lrow_u + 2, buf_a)
        u_round_compact(2, buf_a)
        round_wait(tu_hbm, pu_idx, lrow_u + 3, buf_b)
        u_round_compact(3, buf_b)

        def dot_pass(buf, urow_of, p16_of, sref, srow):
            def blk(j, carry):
                s_loc = j * L + iota
                urows = urow_of(j, s_loc)
                p16 = p16_of(j)

                def dstep(d0, accs):
                    out = []
                    for u in range(4):
                        rd = (d0 + u + iota) & (D - 1)
                        uc = plsc.load_gather(u_rows, [urows, rd])
                        oc = plsc.load_gather(buf, [s_loc, p16 + rd])
                        out.append(accs[u] + uc * oc)
                    return tuple(out)

                accs = plsc.parallel_loop(
                    0, D, step=4, unroll=4,
                    carry=tuple(jnp.zeros((L,), jnp.float32)
                                for _ in range(4)))(dstep)
                acc = (accs[0] + accs[1]) + (accs[2] + accs[3])
                plsc.store_scatter(sref,
                                   [jnp.full((L,), 0, jnp.int32) + srow,
                                    j * L + iota], acc)
                return carry

            lax.fori_loop(0, 8, blk, 0)

        def pos_quarter(buf, q):
            def p16_of(j):
                gv = wid * 32 + q * 8 + j
                return par16(par_v, gv >> 7, gv & 127)

            dot_pass(buf, lambda j, s_loc: q * 128 + s_loc, p16_of,
                     s_pos, q)

        round_issue(tv_hbm, pv_idx, lrow_u + 0, buf_a)
        round_issue(tv_hbm, pv_idx, lrow_u + 1, buf_b)
        round_wait(tv_hbm, pv_idx, lrow_u + 0, buf_a)
        pos_quarter(buf_a, 0)
        round_issue(tv_hbm, pv_idx, lrow_u + 2, buf_a)
        round_wait(tv_hbm, pv_idx, lrow_u + 1, buf_b)
        pos_quarter(buf_b, 1)
        round_issue(tv_hbm, pv_idx, lrow_u + 3, buf_b)
        round_wait(tv_hbm, pv_idx, lrow_u + 2, buf_a)
        pos_quarter(buf_a, 2)
        round_issue(tv_hbm, ng_idx, 0, buf_a)
        round_wait(tv_hbm, pv_idx, lrow_u + 3, buf_b)
        pos_quarter(buf_b, 3)
        pad = jnp.full((L,), 40.0, jnp.float32)
        for r in range(4, 8):
            for c in range(8):
                plsc.store_scatter(s_pos,
                                   [jnp.full((L,), r, jnp.int32),
                                    c * L + iota], pad)
        pltpu.sync_copy(s_pos,
                        out_pos.at[pl.ds(pl.multiple_of(wid * 8, 8), 8)])

        def neg_compute(buf, hc):
            def p16_of(j):
                g_w = hc * 8 + j
                return par16(par_ng, (wid & 7) * 5 + (g_w >> 7), g_w & 127)

            dot_pass(buf, lambda j, s_loc: (hc * 128 + s_loc) // K,
                     p16_of, s_neg, hc % 40)

        def pair(i, carry):
            hc0 = 2 * i
            hc1 = hc0 + 1
            round_issue(tv_hbm, ng_idx, hc1, buf_b)
            round_wait(tv_hbm, ng_idx, hc0, buf_a)
            neg_compute(buf_a, hc0)
            hc2 = jnp.minimum(hc0 + 2, NHC - 2)
            round_issue(tv_hbm, ng_idx, hc2, buf_a)
            round_wait(tv_hbm, ng_idx, hc1, buf_b)
            neg_compute(buf_b, hc1)

            @pl.when(hc1 == NHC // 2 - 1)
            def _():
                pltpu.sync_copy(
                    s_neg,
                    out_neg.at[pl.ds(pl.multiple_of(wid * 80, 8), 40)])

            return carry

        lax.fori_loop(0, NHC // 2, pair, 0)
        round_wait(tv_hbm, ng_idx, NHC - 2, buf_a)
        pltpu.sync_copy(
            s_neg,
            out_neg.at[pl.ds(pl.multiple_of(wid * 80 + 40, 8), 40)])

    return k(pu2, par_u, pv2, par_v, ng2, par_ng, tu, tv)


@functools.partial(jax.jit, static_argnames=("B",))
def _tc_loss(pos_score, neg_score, *, B):

    def body(p_ref, n_ref, o_ref):
        def log_sig(x):
            return jnp.minimum(x, 0.0) - jnp.log1p(jnp.exp(-jnp.abs(x)))

        tot = jnp.sum(log_sig(p_ref[...])) + jnp.sum(log_sig(-n_ref[...]))
        o_ref[0, 0] = -tot / B

    out = pl.pallas_call(
        body,
        out_shape=jax.ShapeDtypeStruct((1, 1), jnp.float32),
        out_specs=pl.BlockSpec(memory_space=pltpu.SMEM),
    )(pos_score, neg_score)
    return out[0, 0]


def _pack16(bits):
    w = bits.reshape(-1, 16) << jnp.arange(16, dtype=jnp.int32)
    return jnp.sum(w, axis=1).astype(jnp.int32)


def kernel(pos_u, pos_v, neg_v, embed_u, embed_v):
    V, D = embed_u.shape
    B, K = neg_v.shape
    ntail = (V % 256) // 2
    tu, tv = _sc_transpose(
        embed_u.T, embed_v.T,
        embed_u[V - 2 * ntail:, :].reshape(ntail, 2 * D),
        embed_v[V - 2 * ntail:, :].reshape(ntail, 2 * D), V=V, D=D)
    pu = pos_u.astype(jnp.int32)
    pv = pos_v.astype(jnp.int32)
    nf = neg_v.astype(jnp.int32).reshape(-1)
    pos_s, neg_s = _sc_scores(
        (pu >> 1).reshape(B // 128, 128), _pack16(pu & 1).reshape(-1, 128),
        (pv >> 1).reshape(B // 128, 128), _pack16(pv & 1).reshape(-1, 128),
        (nf >> 1).reshape(B * K // 128, 128),
        _pack16(nf & 1).reshape(-1, 128),
        tu, tv, B=B, K=K, D=D)
    return _tc_loss(pos_s, neg_s, B=B)

# --- scband reference (transcript-rebuilt; emitter-appended) ---
"""Pipeline reference for scband-skip-gram-17360257811101 (READ-ONLY COPY).

The authoritative reference and input builder live on the scoring server;
editing this copy changes nothing except your own understanding.
"""

import jax, jax.numpy as jnp
import numpy as np

VOCAB = 1000000
DIM = 64
B = 16384
K = 20

def setup_inputs(seed: int = 0) -> dict:
    key = jax.random.key(seed)
    k1, k2, k3, k4, k5 = jax.random.split(key, 5)
    pos_u = jax.random.randint(k1, (B,), 0, VOCAB)
    pos_v = jax.random.randint(k2, (B,), 0, VOCAB)
    neg_v = jax.random.randint(k3, (B, K), 0, VOCAB)
    embed_u = jax.random.normal(k4, (VOCAB, DIM), dtype=jnp.float32) * 0.01
    embed_v = jax.random.normal(k5, (VOCAB, DIM), dtype=jnp.float32) * 0.01
    return {"pos_u": pos_u, "pos_v": pos_v, "neg_v": neg_v,
            "embed_u": embed_u, "embed_v": embed_v}

def reference(pos_u, pos_v, neg_v, embed_u, embed_v):
    # SkipGram with negative sampling:
    # center words use embed_u (input embeddings),
    # context + negatives use embed_v (output embeddings).
    u = jnp.take(embed_u, pos_u, axis=0)          # [B, D] gather
    v = jnp.take(embed_v, pos_v, axis=0)          # [B, D] gather
    neg = jnp.take(embed_v, neg_v, axis=0)        # [B, K, D] gather
    pos_score = jnp.sum(u * v, axis=-1)           # [B]
    neg_score = jnp.einsum('bkd,bd->bk', neg, u)  # [B, K]
    log_pos = jax.nn.log_sigmoid(pos_score)       # [B]
    log_neg = jnp.sum(jax.nn.log_sigmoid(-neg_score), axis=-1)  # [B]
    loss = -jnp.mean(log_pos + log_neg)
    return loss

if __name__ == "__main__":
    import jax
    _d = setup_inputs()
    print(jax.jit(kernel)(*tuple(_d.values())))

</pallas_src>

<mosaic_0001>
#map = affine_map<(d0, d1) -> (0, 0)>
module attributes {stable_mosaic.version = 14 : i64} {
  func.func @k(%arg0: i32, %arg1: i32, %arg2: memref<64x1000000xf32, #tpu.memory_space<hbm>>, %arg3: memref<64x1000000xf32, #tpu.memory_space<hbm>>, %arg4: memref<32x128xf32, #tpu.memory_space<hbm>>, %arg5: memref<32x128xf32, #tpu.memory_space<hbm>>, %arg6: memref<500000x128xf32, #tpu.memory_space<hbm>>, %arg7: memref<500000x128xf32, #tpu.memory_space<hbm>>, %arg8: memref<64x256xf32, #tpu.memory_space<vmem>>, %arg9: memref<64x256xf32, #tpu.memory_space<vmem>>, %arg10: memref<128x128xf32, #tpu.memory_space<vmem>>, %arg11: memref<128x128xf32, #tpu.memory_space<vmem>>, %arg12: memref<!tpu.dma_semaphore, #tpu.memory_space<semaphore_mem>>, %arg13: memref<!tpu.dma_semaphore, #tpu.memory_space<semaphore_mem>>) attributes {dimension_semantics = [#tpu.dimension_semantics<core_parallel>, #tpu.dimension_semantics<subcore_parallel>], iteration_bounds = array<i64: 2, 16>, scalar_prefetch = 0 : i64, scratch_operands = 6 : i64, tpu.core_type = #tpu.core_type<sc_vector_subcore>, window_params = [{transform_indices = #map}, {transform_indices = #map}, {transform_indices = #map}, {transform_indices = #map}, {transform_indices = #map}, {transform_indices = #map}]} {
    %mul3A = arith.constant 2 : i32
    %mul3A_0 = arith.muli %arg1, %mul3A : i32
    %add3A = arith.addi %mul3A_0, %arg0 : i32
    %iota3A = tpu.iota {dimensions = array<i32: 0>} : vector<16xi32>
    %mul3A_1 = arith.constant 123 : i32
    %mul3A_2 = arith.muli %add3A, %mul3A_1 : i32
    %add3A_3 = arith.constant 123 : i32
    %add3A_4 = arith.addi %mul3A_2, %add3A_3 : i32
    %min3A = arith.constant 3906 : i32
    %min3A_5 = arith.minsi %add3A_4, %min3A : i32
    %sub3A = arith.subi %min3A_5, %mul3A_2 : i32
    %add3A_6 = arith.constant 1 : i32
    %add3A_7 = arith.addi %sub3A, %add3A_6 : i32
    %jit3A = arith.constant 2 : i32
    %div3A = arith.divsi %add3A_7, %jit3A : i32
    %sign3A = arith.constant 0 : i32
    %sign3A_8 = arith.cmpi sgt, %add3A_7, %sign3A : i32
    %sign3A_9 = arith.extui %sign3A_8 : i1 to i32
    %sign3A_10 = arith.constant 0 : i32
    %sign3A_11 = arith.cmpi slt, %add3A_7, %sign3A_10 : i32
    %sign3A_12 = arith.extui %sign3A_11 : i1 to i32
    %sign3A_13 = arith.subi %sign3A_9, %sign3A_12 : i32
    %sign3A_14 = arith.constant 0 : i32
    %sign3A_15 = arith.cmpi sgt, %jit3A, %sign3A_14 : i32
    %sign3A_16 = arith.extui %sign3A_15 : i1 to i32
    %sign3A_17 = arith.constant 0 : i32
    %sign3A_18 = arith.cmpi slt, %jit3A, %sign3A_17 : i32
    %sign3A_19 = arith.extui %sign3A_18 : i1 to i32
    %sign3A_20 = arith.subi %sign3A_16, %sign3A_19 : i32
    %ne3A = arith.cmpi ne, %sign3A_13, %sign3A_20 : i32
    %rem3A = arith.remsi %add3A_7, %jit3A : i32
    %ne3A_21 = arith.constant 0 : i32
    %ne3A_22 = arith.cmpi ne, %rem3A, %ne3A_21 : i32
    %and3A = arith.andi %ne3A, %ne3A_22 : i1
    %sub3A_23 = arith.constant 1 : i32
    %sub3A_24 = arith.subi %div3A, %sub3A_23 : i32
    %select_n3A = arith.select %and3A, %sub3A_24, %div3A : i32
    %mul3A_25 = arith.constant 256 : i32
    %mul3A_26 = arith.muli %mul3A_2, %mul3A_25 : i32
    %multiple_of3A = tpu.assume_multiple %mul3A_26, 256 : i32
    %dma_start3A = arith.constant 0 : i32
    %dma_start3A_27 = tpu.memref_slice %arg2[%dma_start3A, %multiple_of3A] : memref<64x1000000xf32, #tpu.memory_space<hbm>> -> memref<64x256xf32, #tpu.memory_space<hbm>>
    %dma_start3A_28 = arith.constant 0 : i32
    %dma_start3A_29 = tpu.memref_slice %arg2[%dma_start3A_28, %multiple_of3A] : memref<64x1000000xf32, #tpu.memory_space<hbm>> -> memref<64x256xf32, #tpu.memory_space<hbm>>
    tpu.enqueue_dma source(%dma_start3A_29 : memref<64x256xf32, #tpu.memory_space<hbm>>) target(%arg8 : memref<64x256xf32, #tpu.memory_space<vmem>>) target_semaphore(%arg12 : memref<!tpu.dma_semaphore, #tpu.memory_space<semaphore_mem>>)
    %add3A_30 = arith.constant 1 : i32
    %add3A_31 = arith.addi %mul3A_2, %add3A_30 : i32
    %sub3A_32 = arith.constant 1 : i32
    %sub3A_33 = arith.subi %min3A_5, %sub3A_32 : i32
    %min3A_34 = arith.minsi %add3A_31, %sub3A_33 : i32
    %mul3A_35 = arith.constant 256 : i32
    %mul3A_36 = arith.muli %min3A_34, %mul3A_35 : i32
    %multiple_of3A_37 = tpu.assume_multiple %mul3A_36, 256 : i32
    %dma_start3A_38 = arith.constant 0 : i32
    %dma_start3A_39 = tpu.memref_slice %arg2[%dma_start3A_38, %multiple_of3A_37] : memref<64x1000000xf32, #tpu.memory_space<hbm>> -> memref<64x256xf32, #tpu.memory_space<hbm>>
    %dma_start3A_40 = arith.constant 0 : i32
    %dma_start3A_41 = tpu.memref_slice %arg2[%dma_start3A_40, %multiple_of3A_37] : memref<64x1000000xf32, #tpu.memory_space<hbm>> -> memref<64x256xf32, #tpu.memory_space<hbm>>
    tpu.enqueue_dma source(%dma_start3A_41 : memref<64x256xf32, #tpu.memory_space<hbm>>) target(%arg9 : memref<64x256xf32, #tpu.memory_space<vmem>>) target_semaphore(%arg12 : memref<!tpu.dma_semaphore, #tpu.memory_space<semaphore_mem>>)
    %while3A = arith.constant 0 : i32
    %while3A_42 = arith.constant 0 : i32
    %while3A_43 = arith.subi %select_n3A, %while3A_42 : i32
    %while3A_44 = arith.addi %while3A_42, %while3A_43 : i32
    %while3A_45 = arith.constant 1 : i32
    %while3A_46 = arith.divsi %while3A_43, %while3A_45 : i32
    %while3A_47 = arith.muli %while3A_46, %while3A_45 : i32
    %while3A_48 = arith.addi %while3A_42, %while3A_47 : i32
    %while3A_49 = arith.constant 1 : i32
    scf.for %while3A_215 = %while3A_42 to %while3A_48 step %while3A_49  : i32 {
      %mul3A_216 = arith.constant 2 : i32
      %mul3A_217 = arith.muli %mul3A_216, %while3A_215 : i32
      %add3A_218 = arith.addi %mul3A_2, %mul3A_217 : i32
      %add3A_219 = arith.constant 1 : i32
      %add3A_220 = arith.addi %add3A_218, %add3A_219 : i32
      %sub3A_221 = arith.constant 1 : i32
      %sub3A_222 = arith.subi %min3A_5, %sub3A_221 : i32
      %min3A_223 = arith.minsi %add3A_220, %sub3A_222 : i32
      %add3A_224 = arith.constant 2 : i32
      %add3A_225 = arith.addi %add3A_218, %add3A_224 : i32
      %sub3A_226 = arith.constant 1 : i32
      %sub3A_227 = arith.subi %min3A_5, %sub3A_226 : i32
      %min3A_228 = arith.minsi %add3A_225, %sub3A_227 : i32
      %add3A_229 = arith.constant 3 : i32
      %add3A_230 = arith.addi %add3A_218, %add3A_229 : i32
      %sub3A_231 = arith.constant 1 : i32
      %sub3A_232 = arith.subi %min3A_5, %sub3A_231 : i32
      %min3A_233 = arith.minsi %add3A_230, %sub3A_232 : i32
      %gt3A = arith.constant 0 : i32
      %gt3A_234 = arith.cmpi sgt, %while3A_215, %gt3A : i32
      %convert_element_type3A_235 = arith.extui %gt3A_234 : i1 to i32
      %cond3A_236 = arith.constant 0 : i32
      %cond3A_237 = arith.cmpi ne, %convert_element_type3A_235, %cond3A_236 : i32
      scf.if %cond3A_237 {
        %sub3A_291 = arith.constant 2 : i32
        %sub3A_292 = arith.subi %add3A_218, %sub3A_291 : i32
        %mul3A_293 = arith.constant 128 : i32
        %mul3A_294 = arith.muli %sub3A_292, %mul3A_293 : i32
        %multiple_of3A_295 = tpu.assume_multiple %mul3A_294, 128 : i32
        %dma_wait3A_296 = arith.constant 0 : i32
        %dma_wait3A_297 = tpu.memref_slice %arg6[%multiple_of3A_295, %dma_wait3A_296] : memref<500000x128xf32, #tpu.memory_space<hbm>> -> memref<128x128xf32, #tpu.memory_space<hbm>>
        %dma_wait3A_298 = arith.constant 0 : i32
        %dma_wait3A_299 = tpu.memref_slice %arg6[%multiple_of3A_295, %dma_wait3A_298] : memref<500000x128xf32, #tpu.memory_space<hbm>> -> memref<128x128xf32, #tpu.memory_space<hbm>>
        tpu.wait_dma2 semaphore(%arg13 : memref<!tpu.dma_semaphore, #tpu.memory_space<semaphore_mem>>) src(%arg10 : memref<128x128xf32, #tpu.memory_space<vmem>>) dst(%dma_wait3A_299 : memref<128x128xf32, #tpu.memory_space<hbm>>)
        %sub3A_300 = arith.constant 2 : i32
        %sub3A_301 = arith.subi %min3A_223, %sub3A_300 : i32
        %mul3A_302 = arith.constant 128 : i32
        %mul3A_303 = arith.muli %sub3A_301, %mul3A_302 : i32
        %multiple_of3A_304 = tpu.assume_multiple %mul3A_303, 128 : i32
        %dma_wait3A_305 = arith.constant 0 : i32
        %dma_wait3A_306 = tpu.memref_slice %arg6[%multiple_of3A_304, %dma_wait3A_305] : memref<500000x128xf32, #tpu.memory_space<hbm>> -> memref<128x128xf32, #tpu.memory_space<hbm>>
        %dma_wait3A_307 = arith.constant 0 : i32
        %dma_wait3A_308 = tpu.memref_slice %arg6[%multiple_of3A_304, %dma_wait3A_307] : memref<500000x128xf32, #tpu.memory_space<hbm>> -> memref<128x128xf32, #tpu.memory_space<hbm>>
        tpu.wait_dma2 semaphore(%arg13 : memref<!tpu.dma_semaphore, #tpu.memory_space<semaphore_mem>>) src(%arg11 : memref<128x128xf32, #tpu.memory_space<vmem>>) dst(%dma_wait3A_308 : memref<128x128xf32, #tpu.memory_space<hbm>>)
      } else {
      }
      %mul3A_238 = arith.constant 256 : i32
      %mul3A_239 = arith.muli %add3A_218, %mul3A_238 : i32
      %multiple_of3A_240 = tpu.assume_multiple %mul3A_239, 256 : i32
      %dma_wait3A_241 = arith.constant 0 : i32
      %dma_wait3A_242 = tpu.memref_slice %arg2[%dma_wait3A_241, %multiple_of3A_240] : memref<64x1000000xf32, #tpu.memory_space<hbm>> -> memref<64x256xf32, #tpu.memory_space<hbm>>
      %dma_wait3A_243 = arith.constant 0 : i32
      %dma_wait3A_244 = tpu.memref_slice %arg2[%dma_wait3A_243, %multiple_of3A_240] : memref<64x1000000xf32, #tpu.memory_space<hbm>> -> memref<64x256xf32, #tpu.memory_space<hbm>>
      tpu.wait_dma2 semaphore(%arg12 : memref<!tpu.dma_semaphore, #tpu.memory_space<semaphore_mem>>) src(%dma_wait3A_244 : memref<64x256xf32, #tpu.memory_space<hbm>>) dst(%arg8 : memref<64x256xf32, #tpu.memory_space<vmem>>)
      %scan3A = arith.constant 0 : i32
      %scan3A_245 = arith.constant 0 : i32
      %scan3A_246 = arith.constant 16 : i32
      %scan3A_247 = arith.addi %scan3A_245, %scan3A_246 : i32
      %scan3A_248 = arith.constant 1 : i32
      scf.for %scan3A_291 = %scan3A_245 to %scan3A_247 step %scan3A_248  : i32 {
        %mul3A_292 = arith.constant 16 : i32
        %mul3A_293 = arith.muli %scan3A_291, %mul3A_292 : i32
        %add3A_294 = vector.broadcast %mul3A_293 : i32 to vector<16xi32>
        %add3A_295 = arith.addi %add3A_294, %iota3A : vector<16xi32>
        %shift_right_arithmetic3A = arith.constant 1 : i32
        %shift_right_arithmetic3A_296 = vector.broadcast %shift_right_arithmetic3A : i32 to vector<16xi32>
        %shift_right_arithmetic3A_297 = arith.shrsi %add3A_295, %shift_right_arithmetic3A_296 : vector<16xi32>
        %and3A_298 = arith.constant 1 : i32
        %and3A_299 = vector.broadcast %and3A_298 : i32 to vector<16xi32>
        %and3A_300 = arith.andi %add3A_295, %and3A_299 : vector<16xi32>
        %shift_left3A = arith.constant 6 : i32
        %shift_left3A_301 = vector.broadcast %shift_left3A : i32 to vector<16xi32>
        %shift_left3A_302 = arith.shli %and3A_300, %shift_left3A_301 : vector<16xi32>
        %parallel_loop3A = arith.constant 0 : i32
        %parallel_loop3A_303 = arith.constant 64 : i32
        %parallel_loop3A_304 = arith.constant 1 : i32
        scf.for %parallel_loop3A_305 = %parallel_loop3A to %parallel_loop3A_303 step %parallel_loop3A_304  : i32 {
          %parallel_loop3A_306 = vector.broadcast %parallel_loop3A_305 : i32 to vector<16xi32>
          %parallel_loop3A_307 = arith.addi %parallel_loop3A_306, %iota3A : vector<16xi32>
          %parallel_loop3A_308 = arith.constant 63 : i32
          %parallel_loop3A_309 = vector.broadcast %parallel_loop3A_308 : i32 to vector<16xi32>
          %parallel_loop3A_310 = arith.andi %parallel_loop3A_307, %parallel_loop3A_309 : vector<16xi32>
          %parallel_loop3A_311 = tpu.vector_load_idx %arg8[%parallel_loop3A_310, %add3A_295] : memref<64x256xf32, #tpu.memory_space<vmem>>[vector<16xi32>, vector<16xi32>], vector<16xf32>,
          %parallel_loop3A_312 = arith.addi %shift_left3A_302, %parallel_loop3A_310 : vector<16xi32>
          tpu.vector_store_idx %arg10[%shift_right_arithmetic3A_297, %parallel_loop3A_312], %parallel_loop3A_311 : memref<128x128xf32, #tpu.memory_space<vmem>>[vector<16xi32>, vector<16xi32>], vector<16xf32>,
        } {sc.loop_unroll_factor = 8 : i64, sc.parallel_access}
      }
      %scan3A_249 = arith.constant 16 : i32
      %mul3A_250 = arith.constant 128 : i32
      %mul3A_251 = arith.muli %add3A_218, %mul3A_250 : i32
      %multiple_of3A_252 = tpu.assume_multiple %mul3A_251, 128 : i32
      %dma_start3A_253 = arith.constant 0 : i32
      %dma_start3A_254 = tpu.memref_slice %arg6[%multiple_of3A_252, %dma_start3A_253] : memref<500000x128xf32, #tpu.memory_space<hbm>> -> memref<128x128xf32, #tpu.memory_space<hbm>>
      %dma_start3A_255 = arith.constant 0 : i32
      %dma_start3A_256 = tpu.memref_slice %arg6[%multiple_of3A_252, %dma_start3A_255] : memref<500000x128xf32, #tpu.memory_space<hbm>> -> memref<128x128xf32, #tpu.memory_space<hbm>>
      tpu.enqueue_dma source(%arg10 : memref<128x128xf32, #tpu.memory_space<vmem>>) target(%dma_start3A_256 : memref<128x128xf32, #tpu.memory_space<hbm>>) target_semaphore(%arg13 : memref<!tpu.dma_semaphore, #tpu.memory_space<semaphore_mem>>)
      %mul3A_257 = arith.constant 256 : i32
      %mul3A_258 = arith.muli %min3A_228, %mul3A_257 : i32
      %multiple_of3A_259 = tpu.assume_multiple %mul3A_258, 256 : i32
      %dma_start3A_260 = arith.constant 0 : i32
      %dma_start3A_261 = tpu.memref_slice %arg2[%dma_start3A_260, %multiple_of3A_259] : memref<64x1000000xf32, #tpu.memory_space<hbm>> -> memref<64x256xf32, #tpu.memory_space<hbm>>
      %dma_start3A_262 = arith.constant 0 : i32
      %dma_start3A_263 = tpu.memref_slice %arg2[%dma_start3A_262, %multiple_of3A_259] : memref<64x1000000xf32, #tpu.memory_space<hbm>> -> memref<64x256xf32, #tpu.memory_space<hbm>>
      tpu.enqueue_dma source(%dma_start3A_263 : memref<64x256xf32, #tpu.memory_space<hbm>>) target(%arg8 : memref<64x256xf32, #tpu.memory_space<vmem>>) target_semaphore(%arg12 : memref<!tpu.dma_semaphore, #tpu.memory_space<semaphore_mem>>)
      %mul3A_264 = arith.constant 256 : i32
      %mul3A_265 = arith.muli %min3A_223, %mul3A_264 : i32
      %multiple_of3A_266 = tpu.assume_multiple %mul3A_265, 256 : i32
      %dma_wait3A_267 = arith.constant 0 : i32
      %dma_wait3A_268 = tpu.memref_slice %arg2[%dma_wait3A_267, %multiple_of3A_266] : memref<64x1000000xf32, #tpu.memory_space<hbm>> -> memref<64x256xf32, #tpu.memory_space<hbm>>
      %dma_wait3A_269 = arith.constant 0 : i32
      %dma_wait3A_270 = tpu.memref_slice %arg2[%dma_wait3A_269, %multiple_of3A_266] : memref<64x1000000xf32, #tpu.memory_space<hbm>> -> memref<64x256xf32, #tpu.memory_space<hbm>>
      tpu.wait_dma2 semaphore(%arg12 : memref<!tpu.dma_semaphore, #tpu.memory_space<semaphore_mem>>) src(%dma_wait3A_270 : memref<64x256xf32, #tpu.memory_space<hbm>>) dst(%arg9 : memref<64x256xf32, #tpu.memory_space<vmem>>)
      %scan3A_271 = arith.constant 0 : i32
      %scan3A_272 = arith.constant 0 : i32
      %scan3A_273 = arith.constant 16 : i32
      %scan3A_274 = arith.addi %scan3A_272, %scan3A_273 : i32
      %scan3A_275 = arith.constant 1 : i32
      scf.for %scan3A_291 = %scan3A_272 to %scan3A_274 step %scan3A_275  : i32 {
        %mul3A_292 = arith.constant 16 : i32
        %mul3A_293 = arith.muli %scan3A_291, %mul3A_292 : i32
        %add3A_294 = vector.broadcast %mul3A_293 : i32 to vector<16xi32>
        %add3A_295 = arith.addi %add3A_294, %iota3A : vector<16xi32>
        %shift_right_arithmetic3A = arith.constant 1 : i32
        %shift_right_arithmetic3A_296 = vector.broadcast %shift_right_arithmetic3A : i32 to vector<16xi32>
        %shift_right_arithmetic3A_297 = arith.shrsi %add3A_295, %shift_right_arithmetic3A_296 : vector<16xi32>
        %and3A_298 = arith.constant 1 : i32
        %and3A_299 = vector.broadcast %and3A_298 : i32 to vector<16xi32>
        %and3A_300 = arith.andi %add3A_295, %and3A_299 : vector<16xi32>
        %shift_left3A = arith.constant 6 : i32
        %shift_left3A_301 = vector.broadcast %shift_left3A : i32 to vector<16xi32>
        %shift_left3A_302 = arith.shli %and3A_300, %shift_left3A_301 : vector<16xi32>
        %parallel_loop3A = arith.constant 0 : i32
        %parallel_loop3A_303 = arith.constant 64 : i32
        %parallel_loop3A_304 = arith.constant 1 : i32
        scf.for %parallel_loop3A_305 = %parallel_loop3A to %parallel_loop3A_303 step %parallel_loop3A_304  : i32 {
          %parallel_loop3A_306 = vector.broadcast %parallel_loop3A_305 : i32 to vector<16xi32>
          %parallel_loop3A_307 = arith.addi %parallel_loop3A_306, %iota3A : vector<16xi32>
          %parallel_loop3A_308 = arith.constant 63 : i32
          %parallel_loop3A_309 = vector.broadcast %parallel_loop3A_308 : i32 to vector<16xi32>
          %parallel_loop3A_310 = arith.andi %parallel_loop3A_307, %parallel_loop3A_309 : vector<16xi32>
          %parallel_loop3A_311 = tpu.vector_load_idx %arg9[%parallel_loop3A_310, %add3A_295] : memref<64x256xf32, #tpu.memory_space<vmem>>[vector<16xi32>, vector<16xi32>], vector<16xf32>,
          %parallel_loop3A_312 = arith.addi %shift_left3A_302, %parallel_loop3A_310 : vector<16xi32>
          tpu.vector_store_idx %arg11[%shift_right_arithmetic3A_297, %parallel_loop3A_312], %parallel_loop3A_311 : memref<128x128xf32, #tpu.memory_space<vmem>>[vector<16xi32>, vector<16xi32>], vector<16xf32>,
        } {sc.loop_unroll_factor = 8 : i64, sc.parallel_access}
      }
      %scan3A_276 = arith.constant 16 : i32
      %mul3A_277 = arith.constant 128 : i32
      %mul3A_278 = arith.muli %min3A_223, %mul3A_277 : i32
      %multiple_of3A_279 = tpu.assume_multiple %mul3A_278, 128 : i32
      %dma_start3A_280 = arith.constant 0 : i32
      %dma_start3A_281 = tpu.memref_slice %arg6[%multiple_of3A_279, %dma_start3A_280] : memref<500000x128xf32, #tpu.memory_space<hbm>> -> memref<128x128xf32, #tpu.memory_space<hbm>>
      %dma_start3A_282 = arith.constant 0 : i32
      %dma_start3A_283 = tpu.memref_slice %arg6[%multiple_of3A_279, %dma_start3A_282] : memref<500000x128xf32, #tpu.memory_space<hbm>> -> memref<128x128xf32, #tpu.memory_space<hbm>>
      tpu.enqueue_dma source(%arg11 : memref<128x128xf32, #tpu.memory_space<vmem>>) target(%dma_start3A_283 : memref<128x128xf32, #tpu.memory_space<hbm>>) target_semaphore(%arg13 : memref<!tpu.dma_semaphore, #tpu.memory_space<semaphore_mem>>)
      %mul3A_284 = arith.constant 256 : i32
      %mul3A_285 = arith.muli %min3A_233, %mul3A_284 : i32
      %multiple_of3A_286 = tpu.assume_multiple %mul3A_285, 256 : i32
      %dma_start3A_287 = arith.constant 0 : i32
      %dma_start3A_288 = tpu.memref_slice %arg2[%dma_start3A_287, %multiple_of3A_286] : memref<64x1000000xf32, #tpu.memory_space<hbm>> -> memref<64x256xf32, #tpu.memory_space<hbm>>
      %dma_start3A_289 = arith.constant 0 : i32
      %dma_start3A_290 = tpu.memref_slice %arg2[%dma_start3A_289, %multiple_of3A_286] : memref<64x1000000xf32, #tpu.memory_space<hbm>> -> memref<64x256xf32, #tpu.memory_space<hbm>>
      tpu.enqueue_dma source(%dma_start3A_290 : memref<64x256xf32, #tpu.memory_space<hbm>>) target(%arg9 : memref<64x256xf32, #tpu.memory_space<vmem>>) target_semaphore(%arg12 : memref<!tpu.dma_semaphore, #tpu.memory_space<semaphore_mem>>)
    }
    %while3A_50 = arith.constant 1 : i32
    scf.for %while3A_215 = %while3A_48 to %while3A_44 step %while3A_50  : i32 {
      %mul3A_216 = arith.constant 2 : i32
      %mul3A_217 = arith.muli %mul3A_216, %while3A_215 : i32
      %add3A_218 = arith.addi %mul3A_2, %mul3A_217 : i32
      %add3A_219 = arith.constant 1 : i32
      %add3A_220 = arith.addi %add3A_218, %add3A_219 : i32
      %sub3A_221 = arith.constant 1 : i32
      %sub3A_222 = arith.subi %min3A_5, %sub3A_221 : i32
      %min3A_223 = arith.minsi %add3A_220, %sub3A_222 : i32
      %add3A_224 = arith.constant 2 : i32
      %add3A_225 = arith.addi %add3A_218, %add3A_224 : i32
      %sub3A_226 = arith.constant 1 : i32
      %sub3A_227 = arith.subi %min3A_5, %sub3A_226 : i32
      %min3A_228 = arith.minsi %add3A_225, %sub3A_227 : i32
      %add3A_229 = arith.constant 3 : i32
      %add3A_230 = arith.addi %add3A_218, %add3A_229 : i32
      %sub3A_231 = arith.constant 1 : i32
      %sub3A_232 = arith.subi %min3A_5, %sub3A_231 : i32
      %min3A_233 = arith.minsi %add3A_230, %sub3A_232 : i32
      %gt3A = arith.constant 0 : i32
      %gt3A_234 = arith.cmpi sgt, %while3A_215, %gt3A : i32
      %convert_element_type3A_235 = arith.extui %gt3A_234 : i1 to i32
      %cond3A_236 = arith.constant 0 : i32
      %cond3A_237 = arith.cmpi ne, %convert_element_type3A_235, %cond3A_236 : i32
      scf.if %cond3A_237 {
        %sub3A_291 = arith.constant 2 : i32
        %sub3A_292 = arith.subi %add3A_218, %sub3A_291 : i32
        %mul3A_293 = arith.constant 128 : i32
        %mul3A_294 = arith.muli %sub3A_292, %mul3A_293 : i32
        %multiple_of3A_295 = tpu.assume_multiple %mul3A_294, 128 : i32
        %dma_wait3A_296 = arith.constant 0 : i32
        %dma_wait3A_297 = tpu.memref_slice %arg6[%multiple_of3A_295, %dma_wait3A_296] : memref<500000x128xf32, #tpu.memory_space<hbm>> -> memref<128x128xf32, #tpu.memory_space<hbm>>
        %dma_wait3A_298 = arith.constant 0 : i32
        %dma_wait3A_299 = tpu.memref_slice %arg6[%multiple_of3A_295, %dma_wait3A_298] : memref<500000x128xf32, #tpu.memory_space<hbm>> -> memref<128x128xf32, #tpu.memory_space<hbm>>
        tpu.wait_dma2 semaphore(%arg13 : memref<!tpu.dma_semaphore, #tpu.memory_space<semaphore_mem>>) src(%arg10 : memref<128x128xf32, #tpu.memory_space<vmem>>) dst(%dma_wait3A_299 : memref<128x128xf32, #tpu.memory_space<hbm>>)
        %sub3A_300 = arith.constant 2 : i32
        %sub3A_301 = arith.subi %min3A_223, %sub3A_300 : i32
        %mul3A_302 = arith.constant 128 : i32
        %mul3A_303 = arith.muli %sub3A_301, %mul3A_302 : i32
        %multiple_of3A_304 = tpu.assume_multiple %mul3A_303, 128 : i32
        %dma_wait3A_305 = arith.constant 0 : i32
        %dma_wait3A_306 = tpu.memref_slice %arg6[%multiple_of3A_304, %dma_wait3A_305] : memref<500000x128xf32, #tpu.memory_space<hbm>> -> memref<128x128xf32, #tpu.memory_space<hbm>>
        %dma_wait3A_307 = arith.constant 0 : i32
        %dma_wait3A_308 = tpu.memref_slice %arg6[%multiple_of3A_304, %dma_wait3A_307] : memref<500000x128xf32, #tpu.memory_space<hbm>> -> memref<128x128xf32, #tpu.memory_space<hbm>>
        tpu.wait_dma2 semaphore(%arg13 : memref<!tpu.dma_semaphore, #tpu.memory_space<semaphore_mem>>) src(%arg11 : memref<128x128xf32, #tpu.memory_space<vmem>>) dst(%dma_wait3A_308 : memref<128x128xf32, #tpu.memory_space<hbm>>)
      } else {
      }
      %mul3A_238 = arith.constant 256 : i32
      %mul3A_239 = arith.muli %add3A_218, %mul3A_238 : i32
      %multiple_of3A_240 = tpu.assume_multiple %mul3A_239, 256 : i32
      %dma_wait3A_241 = arith.constant 0 : i32
      %dma_wait3A_242 = tpu.memref_slice %arg2[%dma_wait3A_241, %multiple_of3A_240] : memref<64x1000000xf32, #tpu.memory_space<hbm>> -> memref<64x256xf32, #tpu.memory_space<hbm>>
      %dma_wait3A_243 = arith.constant 0 : i32
      %dma_wait3A_244 = tpu.memref_slice %arg2[%dma_wait3A_243, %multiple_of3A_240] : memref<64x1000000xf32, #tpu.memory_space<hbm>> -> memref<64x256xf32, #tpu.memory_space<hbm>>
      tpu.wait_dma2 semaphore(%arg12 : memref<!tpu.dma_semaphore, #tpu.memory_space<semaphore_mem>>) src(%dma_wait3A_244 : memref<64x256xf32, #tpu.memory_space<hbm>>) dst(%arg8 : memref<64x256xf32, #tpu.memory_space<vmem>>)
      %scan3A = arith.constant 0 : i32
      %scan3A_245 = arith.constant 0 : i32
      %scan3A_246 = arith.constant 16 : i32
      %scan3A_247 = arith.addi %scan3A_245, %scan3A_246 : i32
      %scan3A_248 = arith.constant 1 : i32
      scf.for %scan3A_291 = %scan3A_245 to %scan3A_247 step %scan3A_248  : i32 {
        %mul3A_292 = arith.constant 16 : i32
        %mul3A_293 = arith.muli %scan3A_291, %mul3A_292 : i32
        %add3A_294 = vector.broadcast %mul3A_293 : i32 to vector<16xi32>
        %add3A_295 = arith.addi %add3A_294, %iota3A : vector<16xi32>
        %shift_right_arithmetic3A = arith.constant 1 : i32
        %shift_right_arithmetic3A_296 = vector.broadcast %shift_right_arithmetic3A : i32 to vector<16xi32>
        %shift_right_arithmetic3A_297 = arith.shrsi %add3A_295, %shift_right_arithmetic3A_296 : vector<16xi32>
        %and3A_298 = arith.constant 1 : i32
        %and3A_299 = vector.broadcast %and3A_298 : i32 to vector<16xi32>
        %and3A_300 = arith.andi %add3A_295, %and3A_299 : vector<16xi32>
        %shift_left3A = arith.constant 6 : i32
        %shift_left3A_301 = vector.broadcast %shift_left3A : i32 to vector<16xi32>
        %shift_left3A_302 = arith.shli %and3A_300, %shift_left3A_301 : vector<16xi32>
        %parallel_loop3A = arith.constant 0 : i32
        %parallel_loop3A_303 = arith.constant 64 : i32
        %parallel_loop3A_304 = arith.constant 1 : i32
        scf.for %parallel_loop3A_305 = %parallel_loop3A to %parallel_loop3A_303 step %parallel_loop3A_304  : i32 {
          %parallel_loop3A_306 = vector.broadcast %parallel_loop3A_305 : i32 to vector<16xi32>
          %parallel_loop3A_307 = arith.addi %parallel_loop3A_306, %iota3A : vector<16xi32>
          %parallel_loop3A_308 = arith.constant 63 : i32
          %parallel_loop3A_309 = vector.broadcast %parallel_loop3A_308 : i32 to vector<16xi32>
          %parallel_loop3A_310 = arith.andi %parallel_loop3A_307, %parallel_loop3A_309 : vector<16xi32>
          %parallel_loop3A_311 = tpu.vector_load_idx %arg8[%parallel_loop3A_310, %add3A_295] : memref<64x256xf32, #tpu.memory_space<vmem>>[vector<16xi32>, vector<16xi32>], vector<16xf32>,
          %parallel_loop3A_312 = arith.addi %shift_left3A_302, %parallel_loop3A_310 : vector<16xi32>
          tpu.vector_store_idx %arg10[%shift_right_arithmetic3A_297, %parallel_loop3A_312], %parallel_loop3A_311 : memref<128x128xf32, #tpu.memory_space<vmem>>[vector<16xi32>, vector<16xi32>], vector<16xf32>,
        } {sc.loop_unroll_factor = 8 : i64, sc.parallel_access}
      }
      %scan3A_249 = arith.constant 16 : i32
      %mul3A_250 = arith.constant 128 : i32
      %mul3A_251 = arith.muli %add3A_218, %mul3A_250 : i32
      %multiple_of3A_252 = tpu.assume_multiple %mul3A_251, 128 : i32
      %dma_start3A_253 = arith.constant 0 : i32
      %dma_start3A_254 = tpu.memref_slice %arg6[%multiple_of3A_252, %dma_start3A_253] : memref<500000x128xf32, #tpu.memory_space<hbm>> -> memref<128x128xf32, #tpu.memory_space<hbm>>
      %dma_start3A_255 = arith.constant 0 : i32
      %dma_start3A_256 = tpu.memref_slice %arg6[%multiple_of3A_252, %dma_start3A_255] : memref<500000x128xf32, #tpu.memory_space<hbm>> -> memref<128x128xf32, #tpu.memory_space<hbm>>
      tpu.enqueue_dma source(%arg10 : memref<128x128xf32, #tpu.memory_space<vmem>>) target(%dma_start3A_256 : memref<128x128xf32, #tpu.memory_space<hbm>>) target_semaphore(%arg13 : memref<!tpu.dma_semaphore, #tpu.memory_space<semaphore_mem>>)
      %mul3A_257 = arith.constant 256 : i32
      %mul3A_258 = arith.muli %min3A_228, %mul3A_257 : i32
      %multiple_of3A_259 = tpu.assume_multiple %mul3A_258, 256 : i32
      %dma_start3A_260 = arith.constant 0 : i32
      %dma_start3A_261 = tpu.memref_slice %arg2[%dma_start3A_260, %multiple_of3A_259] : memref<64x1000000xf32, #tpu.memory_space<hbm>> -> memref<64x256xf32, #tpu.memory_space<hbm>>
      %dma_start3A_262 = arith.constant 0 : i32
      %dma_start3A_263 = tpu.memref_slice %arg2[%dma_start3A_262, %multiple_of3A_259] : memref<64x1000000xf32, #tpu.memory_space<hbm>> -> memref<64x256xf32, #tpu.memory_space<hbm>>
      tpu.enqueue_dma source(%dma_start3A_263 : memref<64x256xf32, #tpu.memory_space<hbm>>) target(%arg8 : memref<64x256xf32, #tpu.memory_space<vmem>>) target_semaphore(%arg12 : memref<!tpu.dma_semaphore, #tpu.memory_space<semaphore_mem>>)
      %mul3A_264 = arith.constant 256 : i32
      %mul3A_265 = arith.muli %min3A_223, %mul3A_264 : i32
      %multiple_of3A_266 = tpu.assume_multiple %mul3A_265, 256 : i32
      %dma_wait3A_267 = arith.constant 0 : i32
      %dma_wait3A_268 = tpu.memref_slice %arg2[%dma_wait3A_267, %multiple_of3A_266] : memref<64x1000000xf32, #tpu.memory_space<hbm>> -> memref<64x256xf32, #tpu.memory_space<hbm>>
      %dma_wait3A_269 = arith.constant 0 : i32
      %dma_wait3A_270 = tpu.memref_slice %arg2[%dma_wait3A_269, %multiple_of3A_266] : memref<64x1000000xf32, #tpu.memory_space<hbm>> -> memref<64x256xf32, #tpu.memory_space<hbm>>
      tpu.wait_dma2 semaphore(%arg12 : memref<!tpu.dma_semaphore, #tpu.memory_space<semaphore_mem>>) src(%dma_wait3A_270 : memref<64x256xf32, #tpu.memory_space<hbm>>) dst(%arg9 : memref<64x256xf32, #tpu.memory_space<vmem>>)
      %scan3A_271 = arith.constant 0 : i32
      %scan3A_272 = arith.constant 0 : i32
      %scan3A_273 = arith.constant 16 : i32
      %scan3A_274 = arith.addi %scan3A_272, %scan3A_273 : i32
      %scan3A_275 = arith.constant 1 : i32
      scf.for %scan3A_291 = %scan3A_272 to %scan3A_274 step %scan3A_275  : i32 {
        %mul3A_292 = arith.constant 16 : i32
        %mul3A_293 = arith.muli %scan3A_291, %mul3A_292 : i32
        %add3A_294 = vector.broadcast %mul3A_293 : i32 to vector<16xi32>
        %add3A_295 = arith.addi %add3A_294, %iota3A : vector<16xi32>
        %shift_right_arithmetic3A = arith.constant 1 : i32
        %shift_right_arithmetic3A_296 = vector.broadcast %shift_right_arithmetic3A : i32 to vector<16xi32>
        %shift_right_arithmetic3A_297 = arith.shrsi %add3A_295, %shift_right_arithmetic3A_296 : vector<16xi32>
        %and3A_298 = arith.constant 1 : i32
        %and3A_299 = vector.broadcast %and3A_298 : i32 to vector<16xi32>
        %and3A_300 = arith.andi %add3A_295, %and3A_299 : vector<16xi32>
        %shift_left3A = arith.constant 6 : i32
        %shift_left3A_301 = vector.broadcast %shift_left3A : i32 to vector<16xi32>
        %shift_left3A_302 = arith.shli %and3A_300, %shift_left3A_301 : vector<16xi32>
        %parallel_loop3A = arith.constant 0 : i32
        %parallel_loop3A_303 = arith.constant 64 : i32
        %parallel_loop3A_304 = arith.constant 1 : i32
        scf.for %parallel_loop3A_305 = %parallel_loop3A to %parallel_loop3A_303 step %parallel_loop3A_304  : i32 {
          %parallel_loop3A_306 = vector.broadcast %parallel_loop3A_305 : i32 to vector<16xi32>
          %parallel_loop3A_307 = arith.addi %parallel_loop3A_306, %iota3A : vector<16xi32>
          %parallel_loop3A_308 = arith.constant 63 : i32
          %parallel_loop3A_309 = vector.broadcast %parallel_loop3A_308 : i32 to vector<16xi32>
          %parallel_loop3A_310 = arith.andi %parallel_loop3A_307, %parallel_loop3A_309 : vector<16xi32>
          %parallel_loop3A_311 = tpu.vector_load_idx %arg9[%parallel_loop3A_310, %add3A_295] : memref<64x256xf32, #tpu.memory_space<vmem>>[vector<16xi32>, vector<16xi32>], vector<16xf32>,
          %parallel_loop3A_312 = arith.addi %shift_left3A_302, %parallel_loop3A_310 : vector<16xi32>
          tpu.vector_store_idx %arg11[%shift_right_arithmetic3A_297, %parallel_loop3A_312], %parallel_loop3A_311 : memref<128x128xf32, #tpu.memory_space<vmem>>[vector<16xi32>, vector<16xi32>], vector<16xf32>,
        } {sc.loop_unroll_factor = 8 : i64, sc.parallel_access}
      }
      %scan3A_276 = arith.constant 16 : i32
      %mul3A_277 = arith.constant 128 : i32
      %mul3A_278 = arith.muli %min3A_223, %mul3A_277 : i32
      %multiple_of3A_279 = tpu.assume_multiple %mul3A_278, 128 : i32
      %dma_start3A_280 = arith.constant 0 : i32
      %dma_start3A_281 = tpu.memref_slice %arg6[%multiple_of3A_279, %dma_start3A_280] : memref<500000x128xf32, #tpu.memory_space<hbm>> -> memref<128x128xf32, #tpu.memory_space<hbm>>
      %dma_start3A_282 = arith.constant 0 : i32
      %dma_start3A_283 = tpu.memref_slice %arg6[%multiple_of3A_279, %dma_start3A_282] : memref<500000x128xf32, #tpu.memory_space<hbm>> -> memref<128x128xf32, #tpu.memory_space<hbm>>
      tpu.enqueue_dma source(%arg11 : memref<128x128xf32, #tpu.memory_space<vmem>>) target(%dma_start3A_283 : memref<128x128xf32, #tpu.memory_space<hbm>>) target_semaphore(%arg13 : memref<!tpu.dma_semaphore, #tpu.memory_space<semaphore_mem>>)
      %mul3A_284 = arith.constant 256 : i32
      %mul3A_285 = arith.muli %min3A_233, %mul3A_284 : i32
      %multiple_of3A_286 = tpu.assume_multiple %mul3A_285, 256 : i32
      %dma_start3A_287 = arith.constant 0 : i32
      %dma_start3A_288 = tpu.memref_slice %arg2[%dma_start3A_287, %multiple_of3A_286] : memref<64x1000000xf32, #tpu.memory_space<hbm>> -> memref<64x256xf32, #tpu.memory_space<hbm>>
      %dma_start3A_289 = arith.constant 0 : i32
      %dma_start3A_290 = tpu.memref_slice %arg2[%dma_start3A_289, %multiple_of3A_286] : memref<64x1000000xf32, #tpu.memory_space<hbm>> -> memref<64x256xf32, #tpu.memory_space<hbm>>
      tpu.enqueue_dma source(%dma_start3A_290 : memref<64x256xf32, #tpu.memory_space<hbm>>) target(%arg9 : memref<64x256xf32, #tpu.memory_space<vmem>>) target_semaphore(%arg12 : memref<!tpu.dma_semaphore, #tpu.memory_space<semaphore_mem>>)
    }
    %sub3A_51 = arith.constant 1 : i32
    %sub3A_52 = arith.subi %select_n3A, %sub3A_51 : i32
    %mul3A_53 = arith.constant 2 : i32
    %mul3A_54 = arith.muli %mul3A_53, %sub3A_52 : i32
    %add3A_55 = arith.addi %mul3A_2, %mul3A_54 : i32
    %mul3A_56 = arith.constant 128 : i32
    %mul3A_57 = arith.muli %add3A_55, %mul3A_56 : i32
    %multiple_of3A_58 = tpu.assume_multiple %mul3A_57, 128 : i32
    %dma_wait3A = arith.constant 0 : i32
    %dma_wait3A_59 = tpu.memref_slice %arg6[%multiple_of3A_58, %dma_wait3A] : memref<500000x128xf32, #tpu.memory_space<hbm>> -> memref<128x128xf32, #tpu.memory_space<hbm>>
    %dma_wait3A_60 = arith.constant 0 : i32
    %dma_wait3A_61 = tpu.memref_slice %arg6[%multiple_of3A_58, %dma_wait3A_60] : memref<500000x128xf32, #tpu.memory_space<hbm>> -> memref<128x128xf32, #tpu.memory_space<hbm>>
    tpu.wait_dma2 semaphore(%arg13 : memref<!tpu.dma_semaphore, #tpu.memory_space<semaphore_mem>>) src(%arg10 : memref<128x128xf32, #tpu.memory_space<vmem>>) dst(%dma_wait3A_61 : memref<128x128xf32, #tpu.memory_space<hbm>>)
    %add3A_62 = arith.constant 1 : i32
    %add3A_63 = arith.addi %add3A_55, %add3A_62 : i32
    %sub3A_64 = arith.constant 1 : i32
    %sub3A_65 = arith.subi %min3A_5, %sub3A_64 : i32
    %min3A_66 = arith.minsi %add3A_63, %sub3A_65 : i32
    %mul3A_67 = arith.constant 128 : i32
    %mul3A_68 = arith.muli %min3A_66, %mul3A_67 : i32
    %multiple_of3A_69 = tpu.assume_multiple %mul3A_68, 128 : i32
    %dma_wait3A_70 = arith.constant 0 : i32
    %dma_wait3A_71 = tpu.memref_slice %arg6[%multiple_of3A_69, %dma_wait3A_70] : memref<500000x128xf32, #tpu.memory_space<hbm>> -> memref<128x128xf32, #tpu.memory_space<hbm>>
    %dma_wait3A_72 = arith.constant 0 : i32
    %dma_wait3A_73 = tpu.memref_slice %arg6[%multiple_of3A_69, %dma_wait3A_72] : memref<500000x128xf32, #tpu.memory_space<hbm>> -> memref<128x128xf32, #tpu.memory_space<hbm>>
    tpu.wait_dma2 semaphore(%arg13 : memref<!tpu.dma_semaphore, #tpu.memory_space<semaphore_mem>>) src(%arg11 : memref<128x128xf32, #tpu.memory_space<vmem>>) dst(%dma_wait3A_73 : memref<128x128xf32, #tpu.memory_space<hbm>>)
    %add3A_74 = arith.constant 2 : i32
    %add3A_75 = arith.addi %add3A_55, %add3A_74 : i32
    %sub3A_76 = arith.constant 1 : i32
    %sub3A_77 = arith.subi %min3A_5, %sub3A_76 : i32
    %min3A_78 = arith.minsi %add3A_75, %sub3A_77 : i32
    %mul3A_79 = arith.constant 256 : i32
    %mul3A_80 = arith.muli %min3A_78, %mul3A_79 : i32
    %multiple_of3A_81 = tpu.assume_multiple %mul3A_80, 256 : i32
    %dma_wait3A_82 = arith.constant 0 : i32
    %dma_wait3A_83 = tpu.memref_slice %arg2[%dma_wait3A_82, %multiple_of3A_81] : memref<64x1000000xf32, #tpu.memory_space<hbm>> -> memref<64x256xf32, #tpu.memory_space<hbm>>
    %dma_wait3A_84 = arith.constant 0 : i32
    %dma_wait3A_85 = tpu.memref_slice %arg2[%dma_wait3A_84, %multiple_of3A_81] : memref<64x1000000xf32, #tpu.memory_space<hbm>> -> memref<64x256xf32, #tpu.memory_space<hbm>>
    tpu.wait_dma2 semaphore(%arg12 : memref<!tpu.dma_semaphore, #tpu.memory_space<semaphore_mem>>) src(%dma_wait3A_85 : memref<64x256xf32, #tpu.memory_space<hbm>>) dst(%arg8 : memref<64x256xf32, #tpu.memory_space<vmem>>)
    %add3A_86 = arith.constant 3 : i32
    %add3A_87 = arith.addi %add3A_55, %add3A_86 : i32
    %sub3A_88 = arith.constant 1 : i32
    %sub3A_89 = arith.subi %min3A_5, %sub3A_88 : i32
    %min3A_90 = arith.minsi %add3A_87, %sub3A_89 : i32
    %mul3A_91 = arith.constant 256 : i32
    %mul3A_92 = arith.muli %min3A_90, %mul3A_91 : i32
    %multiple_of3A_93 = tpu.assume_multiple %mul3A_92, 256 : i32
    %dma_wait3A_94 = arith.constant 0 : i32
    %dma_wait3A_95 = tpu.memref_slice %arg2[%dma_wait3A_94, %multiple_of3A_93] : memref<64x1000000xf32, #tpu.memory_space<hbm>> -> memref<64x256xf32, #tpu.memory_space<hbm>>
    %dma_wait3A_96 = arith.constant 0 : i32
    %dma_wait3A_97 = tpu.memref_slice %arg2[%dma_wait3A_96, %multiple_of3A_93] : memref<64x1000000xf32, #tpu.memory_space<hbm>> -> memref<64x256xf32, #tpu.memory_space<hbm>>
    tpu.wait_dma2 semaphore(%arg12 : memref<!tpu.dma_semaphore, #tpu.memory_space<semaphore_mem>>) src(%dma_wait3A_97 : memref<64x256xf32, #tpu.memory_space<hbm>>) dst(%arg9 : memref<64x256xf32, #tpu.memory_space<vmem>>)
    %mul3A_98 = arith.constant 123 : i32
    %mul3A_99 = arith.muli %add3A, %mul3A_98 : i32
    %add3A_100 = arith.constant 123 : i32
    %add3A_101 = arith.addi %mul3A_99, %add3A_100 : i32
    %min3A_102 = arith.constant 3906 : i32
    %min3A_103 = arith.minsi %add3A_101, %min3A_102 : i32
    %sub3A_104 = arith.subi %min3A_103, %mul3A_99 : i32
    %add3A_105 = arith.constant 1 : i32
    %add3A_106 = arith.addi %sub3A_104, %add3A_105 : i32
    %jit3A_107 = arith.constant 2 : i32
    %div3A_108 = arith.divsi %add3A_106, %jit3A_107 : i32
    %sign3A_109 = arith.constant 0 : i32
    %sign3A_110 = arith.cmpi sgt, %add3A_106, %sign3A_109 : i32
    %sign3A_111 = arith.extui %sign3A_110 : i1 to i32
    %sign3A_112 = arith.constant 0 : i32
    %sign3A_113 = arith.cmpi slt, %add3A_106, %sign3A_112 : i32
    %sign3A_114 = arith.extui %sign3A_113 : i1 to i32
    %sign3A_115 = arith.subi %sign3A_111, %sign3A_114 : i32
    %sign3A_116 = arith.constant 0 : i32
    %sign3A_117 = arith.cmpi sgt, %jit3A_107, %sign3A_116 : i32
    %sign3A_118 = arith.extui %sign3A_117 : i1 to i32
    %sign3A_119 = arith.constant 0 : i32
    %sign3A_120 = arith.cmpi slt, %jit3A_107, %sign3A_119 : i32
    %sign3A_121 = arith.extui %sign3A_120 : i1 to i32
    %sign3A_122 = arith.subi %sign3A_118, %sign3A_121 : i32
    %ne3A_123 = arith.cmpi ne, %sign3A_115, %sign3A_122 : i32
    %rem3A_124 = arith.remsi %add3A_106, %jit3A_107 : i32
    %ne3A_125 = arith.constant 0 : i32
    %ne3A_126 = arith.cmpi ne, %rem3A_124, %ne3A_125 : i32
    %and3A_127 = arith.andi %ne3A_123, %ne3A_126 : i1
    %sub3A_128 = arith.constant 1 : i32
    %sub3A_129 = arith.subi %div3A_108, %sub3A_128 : i32
    %select_n3A_130 = arith.select %and3A_127, %sub3A_129, %div3A_108 : i32
    %mul3A_131 = arith.constant 256 : i32
    %mul3A_132 = arith.muli %mul3A_99, %mul3A_131 : i32
    %multiple_of3A_133 = tpu.assume_multiple %mul3A_132, 256 : i32
    %dma_start3A_134 = arith.constant 0 : i32
    %dma_start3A_135 = tpu.memref_slice %arg3[%dma_start3A_134, %multiple_of3A_133] : memref<64x1000000xf32, #tpu.memory_space<hbm>> -> memref<64x256xf32, #tpu.memory_space<hbm>>
    %dma_start3A_136 = arith.constant 0 : i32
    %dma_start3A_137 = tpu.memref_slice %arg3[%dma_start3A_136, %multiple_of3A_133] : memref<64x1000000xf32, #tpu.memory_space<hbm>> -> memref<64x256xf32, #tpu.memory_space<hbm>>
    tpu.enqueue_dma source(%dma_start3A_137 : memref<64x256xf32, #tpu.memory_space<hbm>>) target(%arg8 : memref<64x256xf32, #tpu.memory_space<vmem>>) target_semaphore(%arg12 : memref<!tpu.dma_semaphore, #tpu.memory_space<semaphore_mem>>)
    %add3A_138 = arith.constant 1 : i32
    %add3A_139 = arith.addi %mul3A_99, %add3A_138 : i32
    %sub3A_140 = arith.constant 1 : i32
    %sub3A_141 = arith.subi %min3A_103, %sub3A_140 : i32
    %min3A_142 = arith.minsi %add3A_139, %sub3A_141 : i32
    %mul3A_143 = arith.constant 256 : i32
    %mul3A_144 = arith.muli %min3A_142, %mul3A_143 : i32
    %multiple_of3A_145 = tpu.assume_multiple %mul3A_144, 256 : i32
    %dma_start3A_146 = arith.constant 0 : i32
    %dma_start3A_147 = tpu.memref_slice %arg3[%dma_start3A_146, %multiple_of3A_145] : memref<64x1000000xf32, #tpu.memory_space<hbm>> -> memref<64x256xf32, #tpu.memory_space<hbm>>
    %dma_start3A_148 = arith.constant 0 : i32
    %dma_start3A_149 = tpu.memref_slice %arg3[%dma_start3A_148, %multiple_of3A_145] : memref<64x1000000xf32, #tpu.memory_space<hbm>> -> memref<64x256xf32, #tpu.memory_space<hbm>>
    tpu.enqueue_dma source(%dma_start3A_149 : memref<64x256xf32, #tpu.memory_space<hbm>>) target(%arg9 : memref<64x256xf32, #tpu.memory_space<vmem>>) target_semaphore(%arg12 : memref<!tpu.dma_semaphore, #tpu.memory_space<semaphore_mem>>)
    %while3A_150 = arith.constant 0 : i32
    %while3A_151 = arith.constant 0 : i32
    %while3A_152 = arith.subi %select_n3A_130, %while3A_151 : i32
    %while3A_153 = arith.addi %while3A_151, %while3A_152 : i32
    %while3A_154 = arith.constant 1 : i32
    %while3A_155 = arith.divsi %while3A_152, %while3A_154 : i32
    %while3A_156 = arith.muli %while3A_155, %while3A_154 : i32
    %while3A_157 = arith.addi %while3A_151, %while3A_156 : i32
    %while3A_158 = arith.constant 1 : i32
    scf.for %while3A_215 = %while3A_151 to %while3A_157 step %while3A_158  : i32 {
      %mul3A_216 = arith.constant 2 : i32
      %mul3A_217 = arith.muli %mul3A_216, %while3A_215 : i32
      %add3A_218 = arith.addi %mul3A_99, %mul3A_217 : i32
      %add3A_219 = arith.constant 1 : i32
      %add3A_220 = arith.addi %add3A_218, %add3A_219 : i32
      %sub3A_221 = arith.constant 1 : i32
      %sub3A_222 = arith.subi %min3A_103, %sub3A_221 : i32
      %min3A_223 = arith.minsi %add3A_220, %sub3A_222 : i32
      %add3A_224 = arith.constant 2 : i32
      %add3A_225 = arith.addi %add3A_218, %add3A_224 : i32
      %sub3A_226 = arith.constant 1 : i32
      %sub3A_227 = arith.subi %min3A_103, %sub3A_226 : i32
      %min3A_228 = arith.minsi %add3A_225, %sub3A_227 : i32
      %add3A_229 = arith.constant 3 : i32
      %add3A_230 = arith.addi %add3A_218, %add3A_229 : i32
      %sub3A_231 = arith.constant 1 : i32
      %sub3A_232 = arith.subi %min3A_103, %sub3A_231 : i32
      %min3A_233 = arith.minsi %add3A_230, %sub3A_232 : i32
      %gt3A = arith.constant 0 : i32
      %gt3A_234 = arith.cmpi sgt, %while3A_215, %gt3A : i32
      %convert_element_type3A_235 = arith.extui %gt3A_234 : i1 to i32
      %cond3A_236 = arith.constant 0 : i32
      %cond3A_237 = arith.cmpi ne, %convert_element_type3A_235, %cond3A_236 : i32
      scf.if %cond3A_237 {
        %sub3A_291 = arith.constant 2 : i32
        %sub3A_292 = arith.subi %add3A_218, %sub3A_291 : i32
        %mul3A_293 = arith.constant 128 : i32
        %mul3A_294 = arith.muli %sub3A_292, %mul3A_293 : i32
        %multiple_of3A_295 = tpu.assume_multiple %mul3A_294, 128 : i32
        %dma_wait3A_296 = arith.constant 0 : i32
        %dma_wait3A_297 = tpu.memref_slice %arg7[%multiple_of3A_295, %dma_wait3A_296] : memref<500000x128xf32, #tpu.memory_space<hbm>> -> memref<128x128xf32, #tpu.memory_space<hbm>>
        %dma_wait3A_298 = arith.constant 0 : i32
        %dma_wait3A_299 = tpu.memref_slice %arg7[%multiple_of3A_295, %dma_wait3A_298] : memref<500000x128xf32, #tpu.memory_space<hbm>> -> memref<128x128xf32, #tpu.memory_space<hbm>>
        tpu.wait_dma2 semaphore(%arg13 : memref<!tpu.dma_semaphore, #tpu.memory_space<semaphore_mem>>) src(%arg10 : memref<128x128xf32, #tpu.memory_space<vmem>>) dst(%dma_wait3A_299 : memref<128x128xf32, #tpu.memory_space<hbm>>)
        %sub3A_300 = arith.constant 2 : i32
        %sub3A_301 = arith.subi %min3A_223, %sub3A_300 : i32
        %mul3A_302 = arith.constant 128 : i32
        %mul3A_303 = arith.muli %sub3A_301, %mul3A_302 : i32
        %multiple_of3A_304 = tpu.assume_multiple %mul3A_303, 128 : i32
        %dma_wait3A_305 = arith.constant 0 : i32
        %dma_wait3A_306 = tpu.memref_slice %arg7[%multiple_of3A_304, %dma_wait3A_305] : memref<500000x128xf32, #tpu.memory_space<hbm>> -> memref<128x128xf32, #tpu.memory_space<hbm>>
        %dma_wait3A_307 = arith.constant 0 : i32
        %dma_wait3A_308 = tpu.memref_slice %arg7[%multiple_of3A_304, %dma_wait3A_307] : memref<500000x128xf32, #tpu.memory_space<hbm>> -> memref<128x128xf32, #tpu.memory_space<hbm>>
        tpu.wait_dma2 semaphore(%arg13 : memref<!tpu.dma_semaphore, #tpu.memory_space<semaphore_mem>>) src(%arg11 : memref<128x128xf32, #tpu.memory_space<vmem>>) dst(%dma_wait3A_308 : memref<128x128xf32, #tpu.memory_space<hbm>>)
      } else {
      }
      %mul3A_238 = arith.constant 256 : i32
      %mul3A_239 = arith.muli %add3A_218, %mul3A_238 : i32
      %multiple_of3A_240 = tpu.assume_multiple %mul3A_239, 256 : i32
      %dma_wait3A_241 = arith.constant 0 : i32
      %dma_wait3A_242 = tpu.memref_slice %arg3[%dma_wait3A_241, %multiple_of3A_240] : memref<64x1000000xf32, #tpu.memory_space<hbm>> -> memref<64x256xf32, #tpu.memory_space<hbm>>
      %dma_wait3A_243 = arith.constant 0 : i32
      %dma_wait3A_244 = tpu.memref_slice %arg3[%dma_wait3A_243, %multiple_of3A_240] : memref<64x1000000xf32, #tpu.memory_space<hbm>> -> memref<64x256xf32, #tpu.memory_space<hbm>>
      tpu.wait_dma2 semaphore(%arg12 : memref<!tpu.dma_semaphore, #tpu.memory_space<semaphore_mem>>) src(%dma_wait3A_244 : memref<64x256xf32, #tpu.memory_space<hbm>>) dst(%arg8 : memref<64x256xf32, #tpu.memory_space<vmem>>)
      %scan3A = arith.constant 0 : i32
      %scan3A_245 = arith.constant 0 : i32
      %scan3A_246 = arith.constant 16 : i32
      %scan3A_247 = arith.addi %scan3A_245, %scan3A_246 : i32
      %scan3A_248 = arith.constant 1 : i32
      scf.for %scan3A_291 = %scan3A_245 to %scan3A_247 step %scan3A_248  : i32 {
        %mul3A_292 = arith.constant 16 : i32
        %mul3A_293 = arith.muli %scan3A_291, %mul3A_292 : i32
        %add3A_294 = vector.broadcast %mul3A_293 : i32 to vector<16xi32>
        %add3A_295 = arith.addi %add3A_294, %iota3A : vector<16xi32>
        %shift_right_arithmetic3A = arith.constant 1 : i32
        %shift_right_arithmetic3A_296 = vector.broadcast %shift_right_arithmetic3A : i32 to vector<16xi32>
        %shift_right_arithmetic3A_297 = arith.shrsi %add3A_295, %shift_right_arithmetic3A_296 : vector<16xi32>
        %and3A_298 = arith.constant 1 : i32
        %and3A_299 = vector.broadcast %and3A_298 : i32 to vector<16xi32>
        %and3A_300 = arith.andi %add3A_295, %and3A_299 : vector<16xi32>
        %shift_left3A = arith.constant 6 : i32
        %shift_left3A_301 = vector.broadcast %shift_left3A : i32 to vector<16xi32>
        %shift_left3A_302 = arith.shli %and3A_300, %shift_left3A_301 : vector<16xi32>
        %parallel_loop3A = arith.constant 0 : i32
        %parallel_loop3A_303 = arith.constant 64 : i32
        %parallel_loop3A_304 = arith.constant 1 : i32
        scf.for %parallel_loop3A_305 = %parallel_loop3A to %parallel_loop3A_303 step %parallel_loop3A_304  : i32 {
          %parallel_loop3A_306 = vector.broadcast %parallel_loop3A_305 : i32 to vector<16xi32>
          %parallel_loop3A_307 = arith.addi %parallel_loop3A_306, %iota3A : vector<16xi32>
          %parallel_loop3A_308 = arith.constant 63 : i32
          %parallel_loop3A_309 = vector.broadcast %parallel_loop3A_308 : i32 to vector<16xi32>
          %parallel_loop3A_310 = arith.andi %parallel_loop3A_307, %parallel_loop3A_309 : vector<16xi32>
          %parallel_loop3A_311 = tpu.vector_load_idx %arg8[%parallel_loop3A_310, %add3A_295] : memref<64x256xf32, #tpu.memory_space<vmem>>[vector<16xi32>, vector<16xi32>], vector<16xf32>,
          %parallel_loop3A_312 = arith.addi %shift_left3A_302, %parallel_loop3A_310 : vector<16xi32>
          tpu.vector_store_idx %arg10[%shift_right_arithmetic3A_297, %parallel_loop3A_312], %parallel_loop3A_311 : memref<128x128xf32, #tpu.memory_space<vmem>>[vector<16xi32>, vector<16xi32>], vector<16xf32>,
        } {sc.loop_unroll_factor = 8 : i64, sc.parallel_access}
      }
      %scan3A_249 = arith.constant 16 : i32
      %mul3A_250 = arith.constant 128 : i32
      %mul3A_251 = arith.muli %add3A_218, %mul3A_250 : i32
      %multiple_of3A_252 = tpu.assume_multiple %mul3A_251, 128 : i32
      %dma_start3A_253 = arith.constant 0 : i32
      %dma_start3A_254 = tpu.memref_slice %arg7[%multiple_of3A_252, %dma_start3A_253] : memref<500000x128xf32, #tpu.memory_space<hbm>> -> memref<128x128xf32, #tpu.memory_space<hbm>>
      %dma_start3A_255 = arith.constant 0 : i32
      %dma_start3A_256 = tpu.memref_slice %arg7[%multiple_of3A_252, %dma_start3A_255] : memref<500000x128xf32, #tpu.memory_space<hbm>> -> memref<128x128xf32, #tpu.memory_space<hbm>>
      tpu.enqueue_dma source(%arg10 : memref<128x128xf32, #tpu.memory_space<vmem>>) target(%dma_start3A_256 : memref<128x128xf32, #tpu.memory_space<hbm>>) target_semaphore(%arg13 : memref<!tpu.dma_semaphore, #tpu.memory_space<semaphore_mem>>)
      %mul3A_257 = arith.constant 256 : i32
      %mul3A_258 = arith.muli %min3A_228, %mul3A_257 : i32
      %multiple_of3A_259 = tpu.assume_multiple %mul3A_258, 256 : i32
      %dma_start3A_260 = arith.constant 0 : i32
      %dma_start3A_261 = tpu.memref_slice %arg3[%dma_start3A_260, %multiple_of3A_259] : memref<64x1000000xf32, #tpu.memory_space<hbm>> -> memref<64x256xf32, #tpu.memory_space<hbm>>
      %dma_start3A_262 = arith.constant 0 : i32
      %dma_start3A_263 = tpu.memref_slice %arg3[%dma_start3A_262, %multiple_of3A_259] : memref<64x1000000xf32, #tpu.memory_space<hbm>> -> memref<64x256xf32, #tpu.memory_space<hbm>>
      tpu.enqueue_dma source(%dma_start3A_263 : memref<64x256xf32, #tpu.memory_space<hbm>>) target(%arg8 : memref<64x256xf32, #tpu.memory_space<vmem>>) target_semaphore(%arg12 : memref<!tpu.dma_semaphore, #tpu.memory_space<semaphore_mem>>)
      %mul3A_264 = arith.constant 256 : i32
      %mul3A_265 = arith.muli %min3A_223, %mul3A_264 : i32
      %multiple_of3A_266 = tpu.assume_multiple %mul3A_265, 256 : i32
      %dma_wait3A_267 = arith.constant 0 : i32
      %dma_wait3A_268 = tpu.memref_slice %arg3[%dma_wait3A_267, %multiple_of3A_266] : memref<64x1000000xf32, #tpu.memory_space<hbm>> -> memref<64x256xf32, #tpu.memory_space<hbm>>
      %dma_wait3A_269 = arith.constant 0 : i32
      %dma_wait3A_270 = tpu.memref_slice %arg3[%dma_wait3A_269, %multiple_of3A_266] : memref<64x1000000xf32, #tpu.memory_space<hbm>> -> memref<64x256xf32, #tpu.memory_space<hbm>>
      tpu.wait_dma2 semaphore(%arg12 : memref<!tpu.dma_semaphore, #tpu.memory_space<semaphore_mem>>) src(%dma_wait3A_270 : memref<64x256xf32, #tpu.memory_space<hbm>>) dst(%arg9 : memref<64x256xf32, #tpu.memory_space<vmem>>)
      %scan3A_271 = arith.constant 0 : i32
      %scan3A_272 = arith.constant 0 : i32
      %scan3A_273 = arith.constant 16 : i32
      %scan3A_274 = arith.addi %scan3A_272, %scan3A_273 : i32
      %scan3A_275 = arith.constant 1 : i32
      scf.for %scan3A_291 = %scan3A_272 to %scan3A_274 step %scan3A_275  : i32 {
        %mul3A_292 = arith.constant 16 : i32
        %mul3A_293 = arith.muli %scan3A_291, %mul3A_292 : i32
        %add3A_294 = vector.broadcast %mul3A_293 : i32 to vector<16xi32>
        %add3A_295 = arith.addi %add3A_294, %iota3A : vector<16xi32>
        %shift_right_arithmetic3A = arith.constant 1 : i32
        %shift_right_arithmetic3A_296 = vector.broadcast %shift_right_arithmetic3A : i32 to vector<16xi32>
        %shift_right_arithmetic3A_297 = arith.shrsi %add3A_295, %shift_right_arithmetic3A_296 : vector<16xi32>
        %and3A_298 = arith.constant 1 : i32
        %and3A_299 = vector.broadcast %and3A_298 : i32 to vector<16xi32>
        %and3A_300 = arith.andi %add3A_295, %and3A_299 : vector<16xi32>
        %shift_left3A = arith.constant 6 : i32
        %shift_left3A_301 = vector.broadcast %shift_left3A : i32 to vector<16xi32>
        %shift_left3A_302 = arith.shli %and3A_300, %shift_left3A_301 : vector<16xi32>
        %parallel_loop3A = arith.constant 0 : i32
        %parallel_loop3A_303 = arith.constant 64 : i32
        %parallel_loop3A_304 = arith.constant 1 : i32
        scf.for %parallel_loop3A_305 = %parallel_loop3A to %parallel_loop3A_303 step %parallel_loop3A_304  : i32 {
          %parallel_loop3A_306 = vector.broadcast %parallel_loop3A_305 : i32 to vector<16xi32>
          %parallel_loop3A_307 = arith.addi %parallel_loop3A_306, %iota3A : vector<16xi32>
          %parallel_loop3A_308 = arith.constant 63 : i32
          %parallel_loop3A_309 = vector.broadcast %parallel_loop3A_308 : i32 to vector<16xi32>
          %parallel_loop3A_310 = arith.andi %parallel_loop3A_307, %parallel_loop3A_309 : vector<16xi32>
          %parallel_loop3A_311 = tpu.vector_load_idx %arg9[%parallel_loop3A_310, %add3A_295] : memref<64x256xf32, #tpu.memory_space<vmem>>[vector<16xi32>, vector<16xi32>], vector<16xf32>,
          %parallel_loop3A_312 = arith.addi %shift_left3A_302, %parallel_loop3A_310 : vector<16xi32>
          tpu.vector_store_idx %arg11[%shift_right_arithmetic3A_297, %parallel_loop3A_312], %parallel_loop3A_311 : memref<128x128xf32, #tpu.memory_space<vmem>>[vector<16xi32>, vector<16xi32>], vector<16xf32>,
        } {sc.loop_unroll_factor = 8 : i64, sc.parallel_access}
      }
      %scan3A_276 = arith.constant 16 : i32
      %mul3A_277 = arith.constant 128 : i32
      %mul3A_278 = arith.muli %min3A_223, %mul3A_277 : i32
      %multiple_of3A_279 = tpu.assume_multiple %mul3A_278, 128 : i32
      %dma_start3A_280 = arith.constant 0 : i32
      %dma_start3A_281 = tpu.memref_slice %arg7[%multiple_of3A_279, %dma_start3A_280] : memref<500000x128xf32, #tpu.memory_space<hbm>> -> memref<128x128xf32, #tpu.memory_space<hbm>>
      %dma_start3A_282 = arith.constant 0 : i32
      %dma_start3A_283 = tpu.memref_slice %arg7[%multiple_of3A_279, %dma_start3A_282] : memref<500000x128xf32, #tpu.memory_space<hbm>> -> memref<128x128xf32, #tpu.memory_space<hbm>>
      tpu.enqueue_dma source(%arg11 : memref<128x128xf32, #tpu.memory_space<vmem>>) target(%dma_start3A_283 : memref<128x128xf32, #tpu.memory_space<hbm>>) target_semaphore(%arg13 : memref<!tpu.dma_semaphore, #tpu.memory_space<semaphore_mem>>)
      %mul3A_284 = arith.constant 256 : i32
      %mul3A_285 = arith.muli %min3A_233, %mul3A_284 : i32
      %multiple_of3A_286 = tpu.assume_multiple %mul3A_285, 256 : i32
      %dma_start3A_287 = arith.constant 0 : i32
      %dma_start3A_288 = tpu.memref_slice %arg3[%dma_start3A_287, %multiple_of3A_286] : memref<64x1000000xf32, #tpu.memory_space<hbm>> -> memref<64x256xf32, #tpu.memory_space<hbm>>
      %dma_start3A_289 = arith.constant 0 : i32
      %dma_start3A_290 = tpu.memref_slice %arg3[%dma_start3A_289, %multiple_of3A_286] : memref<64x1000000xf32, #tpu.memory_space<hbm>> -> memref<64x256xf32, #tpu.memory_space<hbm>>
      tpu.enqueue_dma source(%dma_start3A_290 : memref<64x256xf32, #tpu.memory_space<hbm>>) target(%arg9 : memref<64x256xf32, #tpu.memory_space<vmem>>) target_semaphore(%arg12 : memref<!tpu.dma_semaphore, #tpu.memory_space<semaphore_mem>>)
    }
    %while3A_159 = arith.constant 1 : i32
    scf.for %while3A_215 = %while3A_157 to %while3A_153 step %while3A_159  : i32 {
      %mul3A_216 = arith.constant 2 : i32
      %mul3A_217 = arith.muli %mul3A_216, %while3A_215 : i32
      %add3A_218 = arith.addi %mul3A_99, %mul3A_217 : i32
      %add3A_219 = arith.constant 1 : i32
      %add3A_220 = arith.addi %add3A_218, %add3A_219 : i32
      %sub3A_221 = arith.constant 1 : i32
      %sub3A_222 = arith.subi %min3A_103, %sub3A_221 : i32
      %min3A_223 = arith.minsi %add3A_220, %sub3A_222 : i32
      %add3A_224 = arith.constant 2 : i32
      %add3A_225 = arith.addi %add3A_218, %add3A_224 : i32
      %sub3A_226 = arith.constant 1 : i32
      %sub3A_227 = arith.subi %min3A_103, %sub3A_226 : i32
      %min3A_228 = arith.minsi %add3A_225, %sub3A_227 : i32
      %add3A_229 = arith.constant 3 : i32
      %add3A_230 = arith.addi %add3A_218, %add3A_229 : i32
      %sub3A_231 = arith.constant 1 : i32
      %sub3A_232 = arith.subi %min3A_103, %sub3A_231 : i32
      %min3A_233 = arith.minsi %add3A_230, %sub3A_232 : i32
      %gt3A = arith.constant 0 : i32
      %gt3A_234 = arith.cmpi sgt, %while3A_215, %gt3A : i32
      %convert_element_type3A_235 = arith.extui %gt3A_234 : i1 to i32
      %cond3A_236 = arith.constant 0 : i32
      %cond3A_237 = arith.cmpi ne, %convert_element_type3A_235, %cond3A_236 : i32
      scf.if %cond3A_237 {
        %sub3A_291 = arith.constant 2 : i32
        %sub3A_292 = arith.subi %add3A_218, %sub3A_291 : i32
        %mul3A_293 = arith.constant 128 : i32
        %mul3A_294 = arith.muli %sub3A_292, %mul3A_293 : i32
        %multiple_of3A_295 = tpu.assume_multiple %mul3A_294, 128 : i32
        %dma_wait3A_296 = arith.constant 0 : i32
        %dma_wait3A_297 = tpu.memref_slice %arg7[%multiple_of3A_295, %dma_wait3A_296] : memref<500000x128xf32, #tpu.memory_space<hbm>> -> memref<128x128xf32, #tpu.memory_space<hbm>>
        %dma_wait3A_298 = arith.constant 0 : i32
        %dma_wait3A_299 = tpu.memref_slice %arg7[%multiple_of3A_295, %dma_wait3A_298] : memref<500000x128xf32, #tpu.memory_space<hbm>> -> memref<128x128xf32, #tpu.memory_space<hbm>>
        tpu.wait_dma2 semaphore(%arg13 : memref<!tpu.dma_semaphore, #tpu.memory_space<semaphore_mem>>) src(%arg10 : memref<128x128xf32, #tpu.memory_space<vmem>>) dst(%dma_wait3A_299 : memref<128x128xf32, #tpu.memory_space<hbm>>)
        %sub3A_300 = arith.constant 2 : i32
        %sub3A_301 = arith.subi %min3A_223, %sub3A_300 : i32
        %mul3A_302 = arith.constant 128 : i32
        %mul3A_303 = arith.muli %sub3A_301, %mul3A_302 : i32
        %multiple_of3A_304 = tpu.assume_multiple %mul3A_303, 128 : i32
        %dma_wait3A_305 = arith.constant 0 : i32
        %dma_wait3A_306 = tpu.memref_slice %arg7[%multiple_of3A_304, %dma_wait3A_305] : memref<500000x128xf32, #tpu.memory_space<hbm>> -> memref<128x128xf32, #tpu.memory_space<hbm>>
        %dma_wait3A_307 = arith.constant 0 : i32
        %dma_wait3A_308 = tpu.memref_slice %arg7[%multiple_of3A_304, %dma_wait3A_307] : memref<500000x128xf32, #tpu.memory_space<hbm>> -> memref<128x128xf32, #tpu.memory_space<hbm>>
        tpu.wait_dma2 semaphore(%arg13 : memref<!tpu.dma_semaphore, #tpu.memory_space<semaphore_mem>>) src(%arg11 : memref<128x128xf32, #tpu.memory_space<vmem>>) dst(%dma_wait3A_308 : memref<128x128xf32, #tpu.memory_space<hbm>>)
      } else {
      }
      %mul3A_238 = arith.constant 256 : i32
      %mul3A_239 = arith.muli %add3A_218, %mul3A_238 : i32
      %multiple_of3A_240 = tpu.assume_multiple %mul3A_239, 256 : i32
      %dma_wait3A_241 = arith.constant 0 : i32
      %dma_wait3A_242 = tpu.memref_slice %arg3[%dma_wait3A_241, %multiple_of3A_240] : memref<64x1000000xf32, #tpu.memory_space<hbm>> -> memref<64x256xf32, #tpu.memory_space<hbm>>
      %dma_wait3A_243 = arith.constant 0 : i32
      %dma_wait3A_244 = tpu.memref_slice %arg3[%dma_wait3A_243, %multiple_of3A_240] : memref<64x1000000xf32, #tpu.memory_space<hbm>> -> memref<64x256xf32, #tpu.memory_space<hbm>>
      tpu.wait_dma2 semaphore(%arg12 : memref<!tpu.dma_semaphore, #tpu.memory_space<semaphore_mem>>) src(%dma_wait3A_244 : memref<64x256xf32, #tpu.memory_space<hbm>>) dst(%arg8 : memref<64x256xf32, #tpu.memory_space<vmem>>)
      %scan3A = arith.constant 0 : i32
      %scan3A_245 = arith.constant 0 : i32
      %scan3A_246 = arith.constant 16 : i32
      %scan3A_247 = arith.addi %scan3A_245, %scan3A_246 : i32
      %scan3A_248 = arith.constant 1 : i32
      scf.for %scan3A_291 = %scan3A_245 to %scan3A_247 step %scan3A_248  : i32 {
        %mul3A_292 = arith.constant 16 : i32
        %mul3A_293 = arith.muli %scan3A_291, %mul3A_292 : i32
        %add3A_294 = vector.broadcast %mul3A_293 : i32 to vector<16xi32>
        %add3A_295 = arith.addi %add3A_294, %iota3A : vector<16xi32>
        %shift_right_arithmetic3A = arith.constant 1 : i32
        %shift_right_arithmetic3A_296 = vector.broadcast %shift_right_arithmetic3A : i32 to vector<16xi32>
        %shift_right_arithmetic3A_297 = arith.shrsi %add3A_295, %shift_right_arithmetic3A_296 : vector<16xi32>
        %and3A_298 = arith.constant 1 : i32
        %and3A_299 = vector.broadcast %and3A_298 : i32 to vector<16xi32>
        %and3A_300 = arith.andi %add3A_295, %and3A_299 : vector<16xi32>
        %shift_left3A = arith.constant 6 : i32
        %shift_left3A_301 = vector.broadcast %shift_left3A : i32 to vector<16xi32>
        %shift_left3A_302 = arith.shli %and3A_300, %shift_left3A_301 : vector<16xi32>
        %parallel_loop3A = arith.constant 0 : i32
        %parallel_loop3A_303 = arith.constant 64 : i32
        %parallel_loop3A_304 = arith.constant 1 : i32
        scf.for %parallel_loop3A_305 = %parallel_loop3A to %parallel_loop3A_303 step %parallel_loop3A_304  : i32 {
          %parallel_loop3A_306 = vector.broadcast %parallel_loop3A_305 : i32 to vector<16xi32>
          %parallel_loop3A_307 = arith.addi %parallel_loop3A_306, %iota3A : vector<16xi32>
          %parallel_loop3A_308 = arith.constant 63 : i32
          %parallel_loop3A_309 = vector.broadcast %parallel_loop3A_308 : i32 to vector<16xi32>
          %parallel_loop3A_310 = arith.andi %parallel_loop3A_307, %parallel_loop3A_309 : vector<16xi32>
          %parallel_loop3A_311 = tpu.vector_load_idx %arg8[%parallel_loop3A_310, %add3A_295] : memref<64x256xf32, #tpu.memory_space<vmem>>[vector<16xi32>, vector<16xi32>], vector<16xf32>,
          %parallel_loop3A_312 = arith.addi %shift_left3A_302, %parallel_loop3A_310 : vector<16xi32>
          tpu.vector_store_idx %arg10[%shift_right_arithmetic3A_297, %parallel_loop3A_312], %parallel_loop3A_311 : memref<128x128xf32, #tpu.memory_space<vmem>>[vector<16xi32>, vector<16xi32>], vector<16xf32>,
        } {sc.loop_unroll_factor = 8 : i64, sc.parallel_access}
      }
      %scan3A_249 = arith.constant 16 : i32
      %mul3A_250 = arith.constant 128 : i32
      %mul3A_251 = arith.muli %add3A_218, %mul3A_250 : i32
      %multiple_of3A_252 = tpu.assume_multiple %mul3A_251, 128 : i32
      %dma_start3A_253 = arith.constant 0 : i32
      %dma_start3A_254 = tpu.memref_slice %arg7[%multiple_of3A_252, %dma_start3A_253] : memref<500000x128xf32, #tpu.memory_space<hbm>> -> memref<128x128xf32, #tpu.memory_space<hbm>>
      %dma_start3A_255 = arith.constant 0 : i32
      %dma_start3A_256 = tpu.memref_slice %arg7[%multiple_of3A_252, %dma_start3A_255] : memref<500000x128xf32, #tpu.memory_space<hbm>> -> memref<128x128xf32, #tpu.memory_space<hbm>>
      tpu.enqueue_dma source(%arg10 : memref<128x128xf32, #tpu.memory_space<vmem>>) target(%dma_start3A_256 : memref<128x128xf32, #tpu.memory_space<hbm>>) target_semaphore(%arg13 : memref<!tpu.dma_semaphore, #tpu.memory_space<semaphore_mem>>)
      %mul3A_257 = arith.constant 256 : i32
      %mul3A_258 = arith.muli %min3A_228, %mul3A_257 : i32
      %multiple_of3A_259 = tpu.assume_multiple %mul3A_258, 256 : i32
      %dma_start3A_260 = arith.constant 0 : i32
      %dma_start3A_261 = tpu.memref_slice %arg3[%dma_start3A_260, %multiple_of3A_259] : memref<64x1000000xf32, #tpu.memory_space<hbm>> -> memref<64x256xf32, #tpu.memory_space<hbm>>
      %dma_start3A_262 = arith.constant 0 : i32
      %dma_start3A_263 = tpu.memref_slice %arg3[%dma_start3A_262, %multiple_of3A_259] : memref<64x1000000xf32, #tpu.memory_space<hbm>> -> memref<64x256xf32, #tpu.memory_space<hbm>>
      tpu.enqueue_dma source(%dma_start3A_263 : memref<64x256xf32, #tpu.memory_space<hbm>>) target(%arg8 : memref<64x256xf32, #tpu.memory_space<vmem>>) target_semaphore(%arg12 : memref<!tpu.dma_semaphore, #tpu.memory_space<semaphore_mem>>)
      %mul3A_264 = arith.constant 256 : i32
      %mul3A_265 = arith.muli %min3A_223, %mul3A_264 : i32
      %multiple_of3A_266 = tpu.assume_multiple %mul3A_265, 256 : i32
      %dma_wait3A_267 = arith.constant 0 : i32
      %dma_wait3A_268 = tpu.memref_slice %arg3[%dma_wait3A_267, %multiple_of3A_266] : memref<64x1000000xf32, #tpu.memory_space<hbm>> -> memref<64x256xf32, #tpu.memory_space<hbm>>
      %dma_wait3A_269 = arith.constant 0 : i32
      %dma_wait3A_270 = tpu.memref_slice %arg3[%dma_wait3A_269, %multiple_of3A_266] : memref<64x1000000xf32, #tpu.memory_space<hbm>> -> memref<64x256xf32, #tpu.memory_space<hbm>>
      tpu.wait_dma2 semaphore(%arg12 : memref<!tpu.dma_semaphore, #tpu.memory_space<semaphore_mem>>) src(%dma_wait3A_270 : memref<64x256xf32, #tpu.memory_space<hbm>>) dst(%arg9 : memref<64x256xf32, #tpu.memory_space<vmem>>)
      %scan3A_271 = arith.constant 0 : i32
      %scan3A_272 = arith.constant 0 : i32
      %scan3A_273 = arith.constant 16 : i32
      %scan3A_274 = arith.addi %scan3A_272, %scan3A_273 : i32
      %scan3A_275 = arith.constant 1 : i32
      scf.for %scan3A_291 = %scan3A_272 to %scan3A_274 step %scan3A_275  : i32 {
        %mul3A_292 = arith.constant 16 : i32
        %mul3A_293 = arith.muli %scan3A_291, %mul3A_292 : i32
        %add3A_294 = vector.broadcast %mul3A_293 : i32 to vector<16xi32>
        %add3A_295 = arith.addi %add3A_294, %iota3A : vector<16xi32>
        %shift_right_arithmetic3A = arith.constant 1 : i32
        %shift_right_arithmetic3A_296 = vector.broadcast %shift_right_arithmetic3A : i32 to vector<16xi32>
        %shift_right_arithmetic3A_297 = arith.shrsi %add3A_295, %shift_right_arithmetic3A_296 : vector<16xi32>
        %and3A_298 = arith.constant 1 : i32
        %and3A_299 = vector.broadcast %and3A_298 : i32 to vector<16xi32>
        %and3A_300 = arith.andi %add3A_295, %and3A_299 : vector<16xi32>
        %shift_left3A = arith.constant 6 : i32
        %shift_left3A_301 = vector.broadcast %shift_left3A : i32 to vector<16xi32>
        %shift_left3A_302 = arith.shli %and3A_300, %shift_left3A_301 : vector<16xi32>
        %parallel_loop3A = arith.constant 0 : i32
        %parallel_loop3A_303 = arith.constant 64 : i32
        %parallel_loop3A_304 = arith.constant 1 : i32
        scf.for %parallel_loop3A_305 = %parallel_loop3A to %parallel_loop3A_303 step %parallel_loop3A_304  : i32 {
          %parallel_loop3A_306 = vector.broadcast %parallel_loop3A_305 : i32 to vector<16xi32>
          %parallel_loop3A_307 = arith.addi %parallel_loop3A_306, %iota3A : vector<16xi32>
          %parallel_loop3A_308 = arith.constant 63 : i32
          %parallel_loop3A_309 = vector.broadcast %parallel_loop3A_308 : i32 to vector<16xi32>
          %parallel_loop3A_310 = arith.andi %parallel_loop3A_307, %parallel_loop3A_309 : vector<16xi32>
          %parallel_loop3A_311 = tpu.vector_load_idx %arg9[%parallel_loop3A_310, %add3A_295] : memref<64x256xf32, #tpu.memory_space<vmem>>[vector<16xi32>, vector<16xi32>], vector<16xf32>,
          %parallel_loop3A_312 = arith.addi %shift_left3A_302, %parallel_loop3A_310 : vector<16xi32>
          tpu.vector_store_idx %arg11[%shift_right_arithmetic3A_297, %parallel_loop3A_312], %parallel_loop3A_311 : memref<128x128xf32, #tpu.memory_space<vmem>>[vector<16xi32>, vector<16xi32>], vector<16xf32>,
        } {sc.loop_unroll_factor = 8 : i64, sc.parallel_access}
      }
      %scan3A_276 = arith.constant 16 : i32
      %mul3A_277 = arith.constant 128 : i32
      %mul3A_278 = arith.muli %min3A_223, %mul3A_277 : i32
      %multiple_of3A_279 = tpu.assume_multiple %mul3A_278, 128 : i32
      %dma_start3A_280 = arith.constant 0 : i32
      %dma_start3A_281 = tpu.memref_slice %arg7[%multiple_of3A_279, %dma_start3A_280] : memref<500000x128xf32, #tpu.memory_space<hbm>> -> memref<128x128xf32, #tpu.memory_space<hbm>>
      %dma_start3A_282 = arith.constant 0 : i32
      %dma_start3A_283 = tpu.memref_slice %arg7[%multiple_of3A_279, %dma_start3A_282] : memref<500000x128xf32, #tpu.memory_space<hbm>> -> memref<128x128xf32, #tpu.memory_space<hbm>>
      tpu.enqueue_dma source(%arg11 : memref<128x128xf32, #tpu.memory_space<vmem>>) target(%dma_start3A_283 : memref<128x128xf32, #tpu.memory_space<hbm>>) target_semaphore(%arg13 : memref<!tpu.dma_semaphore, #tpu.memory_space<semaphore_mem>>)
      %mul3A_284 = arith.constant 256 : i32
      %mul3A_285 = arith.muli %min3A_233, %mul3A_284 : i32
      %multiple_of3A_286 = tpu.assume_multiple %mul3A_285, 256 : i32
      %dma_start3A_287 = arith.constant 0 : i32
      %dma_start3A_288 = tpu.memref_slice %arg3[%dma_start3A_287, %multiple_of3A_286] : memref<64x1000000xf32, #tpu.memory_space<hbm>> -> memref<64x256xf32, #tpu.memory_space<hbm>>
      %dma_start3A_289 = arith.constant 0 : i32
      %dma_start3A_290 = tpu.memref_slice %arg3[%dma_start3A_289, %multiple_of3A_286] : memref<64x1000000xf32, #tpu.memory_space<hbm>> -> memref<64x256xf32, #tpu.memory_space<hbm>>
      tpu.enqueue_dma source(%dma_start3A_290 : memref<64x256xf32, #tpu.memory_space<hbm>>) target(%arg9 : memref<64x256xf32, #tpu.memory_space<vmem>>) target_semaphore(%arg12 : memref<!tpu.dma_semaphore, #tpu.memory_space<semaphore_mem>>)
    }
    %sub3A_160 = arith.constant 1 : i32
    %sub3A_161 = arith.subi %select_n3A_130, %sub3A_160 : i32
    %mul3A_162 = arith.constant 2 : i32
    %mul3A_163 = arith.muli %mul3A_162, %sub3A_161 : i32
    %add3A_164 = arith.addi %mul3A_99, %mul3A_163 : i32
    %mul3A_165 = arith.constant 128 : i32
    %mul3A_166 = arith.muli %add3A_164, %mul3A_165 : i32
    %multiple_of3A_167 = tpu.assume_multiple %mul3A_166, 128 : i32
    %dma_wait3A_168 = arith.constant 0 : i32
    %dma_wait3A_169 = tpu.memref_slice %arg7[%multiple_of3A_167, %dma_wait3A_168] : memref<500000x128xf32, #tpu.memory_space<hbm>> -> memref<128x128xf32, #tpu.memory_space<hbm>>
    %dma_wait3A_170 = arith.constant 0 : i32
    %dma_wait3A_171 = tpu.memref_slice %arg7[%multiple_of3A_167, %dma_wait3A_170] : memref<500000x128xf32, #tpu.memory_space<hbm>> -> memref<128x128xf32, #tpu.memory_space<hbm>>
    tpu.wait_dma2 semaphore(%arg13 : memref<!tpu.dma_semaphore, #tpu.memory_space<semaphore_mem>>) src(%arg10 : memref<128x128xf32, #tpu.memory_space<vmem>>) dst(%dma_wait3A_171 : memref<128x128xf32, #tpu.memory_space<hbm>>)
    %add3A_172 = arith.constant 1 : i32
    %add3A_173 = arith.addi %add3A_164, %add3A_172 : i32
    %sub3A_174 = arith.constant 1 : i32
    %sub3A_175 = arith.subi %min3A_103, %sub3A_174 : i32
    %min3A_176 = arith.minsi %add3A_173, %sub3A_175 : i32
    %mul3A_177 = arith.constant 128 : i32
    %mul3A_178 = arith.muli %min3A_176, %mul3A_177 : i32
    %multiple_of3A_179 = tpu.assume_multiple %mul3A_178, 128 : i32
    %dma_wait3A_180 = arith.constant 0 : i32
    %dma_wait3A_181 = tpu.memref_slice %arg7[%multiple_of3A_179, %dma_wait3A_180] : memref<500000x128xf32, #tpu.memory_space<hbm>> -> memref<128x128xf32, #tpu.memory_space<hbm>>
    %dma_wait3A_182 = arith.constant 0 : i32
    %dma_wait3A_183 = tpu.memref_slice %arg7[%multiple_of3A_179, %dma_wait3A_182] : memref<500000x128xf32, #tpu.memory_space<hbm>> -> memref<128x128xf32, #tpu.memory_space<hbm>>
    tpu.wait_dma2 semaphore(%arg13 : memref<!tpu.dma_semaphore, #tpu.memory_space<semaphore_mem>>) src(%arg11 : memref<128x128xf32, #tpu.memory_space<vmem>>) dst(%dma_wait3A_183 : memref<128x128xf32, #tpu.memory_space<hbm>>)
    %add3A_184 = arith.constant 2 : i32
    %add3A_185 = arith.addi %add3A_164, %add3A_184 : i32
    %sub3A_186 = arith.constant 1 : i32
    %sub3A_187 = arith.subi %min3A_103, %sub3A_186 : i32
    %min3A_188 = arith.minsi %add3A_185, %sub3A_187 : i32
    %mul3A_189 = arith.constant 256 : i32
    %mul3A_190 = arith.muli %min3A_188, %mul3A_189 : i32
    %multiple_of3A_191 = tpu.assume_multiple %mul3A_190, 256 : i32
    %dma_wait3A_192 = arith.constant 0 : i32
    %dma_wait3A_193 = tpu.memref_slice %arg3[%dma_wait3A_192, %multiple_of3A_191] : memref<64x1000000xf32, #tpu.memory_space<hbm>> -> memref<64x256xf32, #tpu.memory_space<hbm>>
    %dma_wait3A_194 = arith.constant 0 : i32
    %dma_wait3A_195 = tpu.memref_slice %arg3[%dma_wait3A_194, %multiple_of3A_191] : memref<64x1000000xf32, #tpu.memory_space<hbm>> -> memref<64x256xf32, #tpu.memory_space<hbm>>
    tpu.wait_dma2 semaphore(%arg12 : memref<!tpu.dma_semaphore, #tpu.memory_space<semaphore_mem>>) src(%dma_wait3A_195 : memref<64x256xf32, #tpu.memory_space<hbm>>) dst(%arg8 : memref<64x256xf32, #tpu.memory_space<vmem>>)
    %add3A_196 = arith.constant 3 : i32
    %add3A_197 = arith.addi %add3A_164, %add3A_196 : i32
    %sub3A_198 = arith.constant 1 : i32
    %sub3A_199 = arith.subi %min3A_103, %sub3A_198 : i32
    %min3A_200 = arith.minsi %add3A_197, %sub3A_199 : i32
    %mul3A_201 = arith.constant 256 : i32
    %mul3A_202 = arith.muli %min3A_200, %mul3A_201 : i32
    %multiple_of3A_203 = tpu.assume_multiple %mul3A_202, 256 : i32
    %dma_wait3A_204 = arith.constant 0 : i32
    %dma_wait3A_205 = tpu.memref_slice %arg3[%dma_wait3A_204, %multiple_of3A_203] : memref<64x1000000xf32, #tpu.memory_space<hbm>> -> memref<64x256xf32, #tpu.memory_space<hbm>>
    %dma_wait3A_206 = arith.constant 0 : i32
    %dma_wait3A_207 = tpu.memref_slice %arg3[%dma_wait3A_206, %multiple_of3A_203] : memref<64x1000000xf32, #tpu.memory_space<hbm>> -> memref<64x256xf32, #tpu.memory_space<hbm>>
    tpu.wait_dma2 semaphore(%arg12 : memref<!tpu.dma_semaphore, #tpu.memory_space<semaphore_mem>>) src(%dma_wait3A_207 : memref<64x256xf32, #tpu.memory_space<hbm>>) dst(%arg9 : memref<64x256xf32, #tpu.memory_space<vmem>>)
    %eq3A = arith.constant 31 : i32
    %eq3A_208 = arith.cmpi eq, %add3A, %eq3A : i32
    %convert_element_type3A = arith.extui %eq3A_208 : i1 to i32
    %cond3A = arith.constant 0 : i32
    %cond3A_209 = arith.cmpi ne, %convert_element_type3A, %cond3A : i32
    scf.if %cond3A_209 {
      "tpu.region"() ({
        %run_scoped3A = tpu.sem_alloc : memref<!tpu.dma_semaphore, #tpu.memory_space<semaphore_mem>>
        %dma_start3A_215 = arith.constant 0 : i32
        %dma_start3A_216 = arith.constant 0 : i32
        %dma_start3A_217 = tpu.memref_slice %arg10[%dma_start3A_215, %dma_start3A_216] : memref<128x128xf32, #tpu.memory_space<vmem>> -> memref<32x128xf32, #tpu.memory_space<vmem>>
        %dma_start3A_218 = arith.constant 0 : i32
        %dma_start3A_219 = arith.constant 0 : i32
        %dma_start3A_220 = tpu.memref_slice %arg10[%dma_start3A_218, %dma_start3A_219] : memref<128x128xf32, #tpu.memory_space<vmem>> -> memref<32x128xf32, #tpu.memory_space<vmem>>
        tpu.enqueue_dma source(%arg5 : memref<32x128xf32, #tpu.memory_space<hbm>>) target(%dma_start3A_220 : memref<32x128xf32, #tpu.memory_space<vmem>>) target_semaphore(%run_scoped3A : memref<!tpu.dma_semaphore, #tpu.memory_space<semaphore_mem>>)
        %dma_wait3A_221 = arith.constant 0 : i32
        %dma_wait3A_222 = arith.constant 0 : i32
        %dma_wait3A_223 = tpu.memref_slice %arg10[%dma_wait3A_221, %dma_wait3A_222] : memref<128x128xf32, #tpu.memory_space<vmem>> -> memref<32x128xf32, #tpu.memory_space<vmem>>
        %dma_wait3A_224 = arith.constant 0 : i32
        %dma_wait3A_225 = arith.constant 0 : i32
        %dma_wait3A_226 = tpu.memref_slice %arg10[%dma_wait3A_224, %dma_wait3A_225] : memref<128x128xf32, #tpu.memory_space<vmem>> -> memref<32x128xf32, #tpu.memory_space<vmem>>
        tpu.wait_dma2 semaphore(%run_scoped3A : memref<!tpu.dma_semaphore, #tpu.memory_space<semaphore_mem>>) src(%arg5 : memref<32x128xf32, #tpu.memory_space<hbm>>) dst(%dma_wait3A_226 : memref<32x128xf32, #tpu.memory_space<vmem>>)
        tpu.yield
      }) : () -> ()
      "tpu.region"() ({
        %run_scoped3A = tpu.sem_alloc : memref<!tpu.dma_semaphore, #tpu.memory_space<semaphore_mem>>
        %dma_start3A_215 = arith.constant 0 : i32
        %dma_start3A_216 = arith.constant 0 : i32
        %dma_start3A_217 = tpu.memref_slice %arg10[%dma_start3A_215, %dma_start3A_216] : memref<128x128xf32, #tpu.memory_space<vmem>> -> memref<32x128xf32, #tpu.memory_space<vmem>>
        %dma_start3A_218 = arith.constant 499968 : i32
        %dma_start3A_219 = arith.constant 0 : i32
        %dma_start3A_220 = tpu.memref_slice %arg7[%dma_start3A_218, %dma_start3A_219] : memref<500000x128xf32, #tpu.memory_space<hbm>> -> memref<32x128xf32, #tpu.memory_space<hbm>>
        %dma_start3A_221 = arith.constant 499968 : i32
        %dma_start3A_222 = arith.constant 0 : i32
        %dma_start3A_223 = tpu.memref_slice %arg7[%dma_start3A_221, %dma_start3A_222] : memref<500000x128xf32, #tpu.memory_space<hbm>> -> memref<32x128xf32, #tpu.memory_space<hbm>>
        %dma_start3A_224 = arith.constant 0 : i32
        %dma_start3A_225 = arith.constant 0 : i32
        %dma_start3A_226 = tpu.memref_slice %arg10[%dma_start3A_224, %dma_start3A_225] : memref<128x128xf32, #tpu.memory_space<vmem>> -> memref<32x128xf32, #tpu.memory_space<vmem>>
        tpu.enqueue_dma source(%dma_start3A_226 : memref<32x128xf32, #tpu.memory_space<vmem>>) target(%dma_start3A_223 : memref<32x128xf32, #tpu.memory_space<hbm>>) target_semaphore(%run_scoped3A : memref<!tpu.dma_semaphore, #tpu.memory_space<semaphore_mem>>)
        %dma_wait3A_227 = arith.constant 0 : i32
        %dma_wait3A_228 = arith.constant 0 : i32
        %dma_wait3A_229 = tpu.memref_slice %arg10[%dma_wait3A_227, %dma_wait3A_228] : memref<128x128xf32, #tpu.memory_space<vmem>> -> memref<32x128xf32, #tpu.memory_space<vmem>>
        %dma_wait3A_230 = arith.constant 499968 : i32
        %dma_wait3A_231 = arith.constant 0 : i32
        %dma_wait3A_232 = tpu.memref_slice %arg7[%dma_wait3A_230, %dma_wait3A_231] : memref<500000x128xf32, #tpu.memory_space<hbm>> -> memref<32x128xf32, #tpu.memory_space<hbm>>
        %dma_wait3A_233 = arith.constant 499968 : i32
        %dma_wait3A_234 = arith.constant 0 : i32
        %dma_wait3A_235 = tpu.memref_slice %arg7[%dma_wait3A_233, %dma_wait3A_234] : memref<500000x128xf32, #tpu.memory_space<hbm>> -> memref<32x128xf32, #tpu.memory_space<hbm>>
        %dma_wait3A_236 = arith.constant 0 : i32
        %dma_wait3A_237 = arith.constant 0 : i32
        %dma_wait3A_238 = tpu.memref_slice %arg10[%dma_wait3A_236, %dma_wait3A_237] : memref<128x128xf32, #tpu.memory_space<vmem>> -> memref<32x128xf32, #tpu.memory_space<vmem>>
        tpu.wait_dma2 semaphore(%run_scoped3A : memref<!tpu.dma_semaphore, #tpu.memory_space<semaphore_mem>>) src(%dma_wait3A_238 : memref<32x128xf32, #tpu.memory_space<vmem>>) dst(%dma_wait3A_235 : memref<32x128xf32, #tpu.memory_space<hbm>>)
        tpu.yield
      }) : () -> ()
    } else {
    }
    %eq3A_210 = arith.constant 30 : i32
    %eq3A_211 = arith.cmpi eq, %add3A, %eq3A_210 : i32
    %convert_element_type3A_212 = arith.extui %eq3A_211 : i1 to i32
    %cond3A_213 = arith.constant 0 : i32
    %cond3A_214 = arith.cmpi ne, %convert_element_type3A_212, %cond3A_213 : i32
    scf.if %cond3A_214 {
      "tpu.region"() ({
        %run_scoped3A = tpu.sem_alloc : memref<!tpu.dma_semaphore, #tpu.memory_space<semaphore_mem>>
        %dma_start3A_215 = arith.constant 0 : i32
        %dma_start3A_216 = arith.constant 0 : i32
        %dma_start3A_217 = tpu.memref_slice %arg10[%dma_start3A_215, %dma_start3A_216] : memref<128x128xf32, #tpu.memory_space<vmem>> -> memref<32x128xf32, #tpu.memory_space<vmem>>
        %dma_start3A_218 = arith.constant 0 : i32
        %dma_start3A_219 = arith.constant 0 : i32
        %dma_start3A_220 = tpu.memref_slice %arg10[%dma_start3A_218, %dma_start3A_219] : memref<128x128xf32, #tpu.memory_space<vmem>> -> memref<32x128xf32, #tpu.memory_space<vmem>>
        tpu.enqueue_dma source(%arg4 : memref<32x128xf32, #tpu.memory_space<hbm>>) target(%dma_start3A_220 : memref<32x128xf32, #tpu.memory_space<vmem>>) target_semaphore(%run_scoped3A : memref<!tpu.dma_semaphore, #tpu.memory_space<semaphore_mem>>)
        %dma_wait3A_221 = arith.constant 0 : i32
        %dma_wait3A_222 = arith.constant 0 : i32
        %dma_wait3A_223 = tpu.memref_slice %arg10[%dma_wait3A_221, %dma_wait3A_222] : memref<128x128xf32, #tpu.memory_space<vmem>> -> memref<32x128xf32, #tpu.memory_space<vmem>>
        %dma_wait3A_224 = arith.constant 0 : i32
        %dma_wait3A_225 = arith.constant 0 : i32
        %dma_wait3A_226 = tpu.memref_slice %arg10[%dma_wait3A_224, %dma_wait3A_225] : memref<128x128xf32, #tpu.memory_space<vmem>> -> memref<32x128xf32, #tpu.memory_space<vmem>>
        tpu.wait_dma2 semaphore(%run_scoped3A : memref<!tpu.dma_semaphore, #tpu.memory_space<semaphore_mem>>) src(%arg4 : memref<32x128xf32, #tpu.memory_space<hbm>>) dst(%dma_wait3A_226 : memref<32x128xf32, #tpu.memory_space<vmem>>)
        tpu.yield
      }) : () -> ()
      "tpu.region"() ({
        %run_scoped3A = tpu.sem_alloc : memref<!tpu.dma_semaphore, #tpu.memory_space<semaphore_mem>>
        %dma_start3A_215 = arith.constant 0 : i32
        %dma_start3A_216 = arith.constant 0 : i32
        %dma_start3A_217 = tpu.memref_slice %arg10[%dma_start3A_215, %dma_start3A_216] : memref<128x128xf32, #tpu.memory_space<vmem>> -> memref<32x128xf32, #tpu.memory_space<vmem>>
        %dma_start3A_218 = arith.constant 499968 : i32
        %dma_start3A_219 = arith.constant 0 : i32
        %dma_start3A_220 = tpu.memref_slice %arg6[%dma_start3A_218, %dma_start3A_219] : memref<500000x128xf32, #tpu.memory_space<hbm>> -> memref<32x128xf32, #tpu.memory_space<hbm>>
        %dma_start3A_221 = arith.constant 499968 : i32
        %dma_start3A_222 = arith.constant 0 : i32
        %dma_start3A_223 = tpu.memref_slice %arg6[%dma_start3A_221, %dma_start3A_222] : memref<500000x128xf32, #tpu.memory_space<hbm>> -> memref<32x128xf32, #tpu.memory_space<hbm>>
        %dma_start3A_224 = arith.constant 0 : i32
        %dma_start3A_225 = arith.constant 0 : i32
        %dma_start3A_226 = tpu.memref_slice %arg10[%dma_start3A_224, %dma_start3A_225] : memref<128x128xf32, #tpu.memory_space<vmem>> -> memref<32x128xf32, #tpu.memory_space<vmem>>
        tpu.enqueue_dma source(%dma_start3A_226 : memref<32x128xf32, #tpu.memory_space<vmem>>) target(%dma_start3A_223 : memref<32x128xf32, #tpu.memory_space<hbm>>) target_semaphore(%run_scoped3A : memref<!tpu.dma_semaphore, #tpu.memory_space<semaphore_mem>>)
        %dma_wait3A_227 = arith.constant 0 : i32
        %dma_wait3A_228 = arith.constant 0 : i32
        %dma_wait3A_229 = tpu.memref_slice %arg10[%dma_wait3A_227, %dma_wait3A_228] : memref<128x128xf32, #tpu.memory_space<vmem>> -> memref<32x128xf32, #tpu.memory_space<vmem>>
        %dma_wait3A_230 = arith.constant 499968 : i32
        %dma_wait3A_231 = arith.constant 0 : i32
        %dma_wait3A_232 = tpu.memref_slice %arg6[%dma_wait3A_230, %dma_wait3A_231] : memref<500000x128xf32, #tpu.memory_space<hbm>> -> memref<32x128xf32, #tpu.memory_space<hbm>>
        %dma_wait3A_233 = arith.constant 499968 : i32
        %dma_wait3A_234 = arith.constant 0 : i32
        %dma_wait3A_235 = tpu.memref_slice %arg6[%dma_wait3A_233, %dma_wait3A_234] : memref<500000x128xf32, #tpu.memory_space<hbm>> -> memref<32x128xf32, #tpu.memory_space<hbm>>
        %dma_wait3A_236 = arith.constant 0 : i32
        %dma_wait3A_237 = arith.constant 0 : i32
        %dma_wait3A_238 = tpu.memref_slice %arg10[%dma_wait3A_236, %dma_wait3A_237] : memref<128x128xf32, #tpu.memory_space<vmem>> -> memref<32x128xf32, #tpu.memory_space<vmem>>
        tpu.wait_dma2 semaphore(%run_scoped3A : memref<!tpu.dma_semaphore, #tpu.memory_space<semaphore_mem>>) src(%dma_wait3A_238 : memref<32x128xf32, #tpu.memory_space<vmem>>) dst(%dma_wait3A_235 : memref<32x128xf32, #tpu.memory_space<hbm>>)
        tpu.yield
      }) : () -> ()
    } else {
    }
    return
  }
}

</mosaic_0001>

<sc_bundles>
// kernel: _sc_transpose.3.cloned.1.call-start
scs
__scs_entry_jumppad:
0x0: {  	(pc) =	sbr.rel $0x88, $3  }
0x1: {  	(tag) =	ssettag $0x0;
	lr =	simm.s32 $0x1  }
0x2: {  	[smem:$0x3F9D] =	sst lr;
	_ =	strace $0xD0000000  }
0x3: {  	_ = 	snop  }
0x4: {  	_ = 	snop  }
0x5: {  	_ = 	snop  }
0x6: {  	_ = 	snop  }
0x7: {  	_ = 	snop  }
__scs_overlays_trampoline_lowered:
0x8: {  	[smem:$0x3FAC] =	sst s0  }
0x9: {  	[smem:$0x3FAD] =	sst s1  }
0xa: {  	[smem:$0x3FAE] =	sst s2  }
0xb: {  	[smem:$0x3FAF] =	sst s3  }
0xc: {  	[smem:$0x3FB0] =	sst s4  }
0xd: {  	[smem:$0x3FB1] =	sst s5  }
0xe: {  	[smem:$0x3FB2] =	sst s6  }
0xf: {  	[smem:$0x3FB3] =	sst s7  }
0x10: {  	[smem:$0x3FB4] =	sst s8  }
0x11: {  	[smem:$0x3FB5] =	sst s9;
	s0 =	simm.s32 @!p0 $0x0  }
0x12: {  	s1 =	sld [smem:$0x3F9B];
	s0 =	simm.s32 @p0 $0x1  }
0x13: {  	[smem:$0x3FB6] =	sst s0;
	s0 =	simm.s32 @!p1 $0x0  }
0x14: {  	s2 =	sld [smem:$0x3F9A];
	s0 =	simm.s32 @p1 $0x1  }
0x15: {  	[smem:$0x3FB7] =	sst s0;
	s0 =	simm.s32 @!p2 $0x0  }
0x16: {  	s3 =	sld [smem:$0x3FDB];
	s0 =	simm.s32 @p2 $0x1  }
0x17: {  	s4 =	simm.s32 $0x1BF5;
	[smem:$0x3FB9] =	sst s0  }
0x18: {  	s0 =	sld [smem:$0x3F9C];
	_ =	swait.ge [sflag:s4], $0x0  }
0x19: {  	s7 =	sld [smem:$0x3F9D]  }
0x1a: {  	s8 =	sadd.s32 $0xFFFFE003, lr  }
0x1b: {  	s9 =	sadd.s32 $0xFFFFFEF7, lr;
	s5 =	simm.s32 $0xFFFFFFFF;
	p2 =	slt.u32 s8, $0xFFFFF086  }
0x1c: {  	p1 =	slt.u32 s9, $0xF7A;
	s5 =	simm.s32 @!p2 $0x0  }
0x1d: {  	s5 =	simm.s32 @p1 $0x1;
	p0 =	seq.s32 s7, s2  }
0x1e: {  	s7 =	smul.u32 @!p0 $0xF7A, s2;
	p2 =	seq.s32 @!p0 s5, $0x0  }
0x1f: {  	s9 =	smul.u32 $0xF7A, s1;
	s8 =	simm.s32 @!p0 $0x1BF5;
	p2 =	por !p2, p0  }
0x20: {  	[sflag:s8] =	ssyncset.s32 @!p0 $0xFFFFF086;
	s6 =	sadd.s32 @!p0 s3, s7;
	s7 =	simm.s32 @!p0 $0x108  }
0x21: {  	s3 =	sadd.s32 s3, s9;
	s6 =	sadd.s32 @!p0 $0x88, s6;
	s7 =	simm.s32 @p2 $0x1082  }
0x22: {  	[simem:s7], [sflag:s8] =	dma.local @!p0 [hbm:s6], $0xF7A  }
0x23: {  	s9 =	sor.u32 $0xD0000000, s2;
	s6 =	simm.s32 $0x108;
	_ =	swait.ge @!p0 [sflag:s8], $0x0  }
0x24: {  	s3 =	sadd.s32 $0x88, s3;
	s6 =	simm.s32 @!p1 $0x1082;
	[sflag:s4] =	ssyncset.s32 $0xFFFFF086  }
0x25: {  	[simem:s6], [sflag:s4] =	dma.local [hbm:s3], $0xF7A  }
0x26: {  	[smem:$0x3F9D] =	sst s1;
	(tag) =	ssettag s2;
	_ =	strace s9  }
0x27: {  	s1 =	sld [smem:$0x3FAD]  }
0x28: {  	s2 =	sld [smem:$0x3FAE]  }
0x29: {  	s4 =	sld [smem:$0x3FB0]  }
0x2a: {  	p0 =	seq.s32 s5, $0x0;
	s5 =	sld [smem:$0x3FB1]  }
0x2b: {  	s6 =	sld [smem:$0x3FB2]  }
0x2c: {  	s7 =	sld [smem:$0x3FB3]  }
0x2d: {  	s3 =	simm.s32 $0x108;
	s8 =	sld [smem:$0x3FB4]  }
0x2e: {  	s3 =	simm.s32 @!p0 $0x1082;
	s9 =	sld [smem:$0x3FB5]  }
0x2f: {  	lr =	sadd.s32 s0, s3;
	s0 =	sld [smem:$0x3FAC]  }
0x30: {  	s3 =	sld [smem:$0x3FAF]  }
0x31: {  	[smem:$0x3FB8] =	sst s10  }
0x32: {  	s10 =	sld [smem:$0x3FB6];
	_ =	sdelay $0x3  }
0x33: {  	p0 =	seq.s32 s10, $0x1;
	s10 =	sld [smem:$0x3FB8];
	_ =	sdelay $0x3  }
0x34: {  	[smem:$0x3FB8] =	sst s10  }
0x35: {  	s10 =	sld [smem:$0x3FB7];
	_ =	sdelay $0x3  }
0x36: {  	p1 =	seq.s32 s10, $0x1;
	s10 =	sld [smem:$0x3FB8];
	_ =	sdelay $0x3  }
0x37: {  	[smem:$0x3FB8] =	sst s10  }
0x38: {  	s10 =	sld [smem:$0x3FB9]  }
0x39: {  	_ = 	snop;
	(pc) =	sbr.ind lr, $3  }
0x3a: {  	_ = 	snop  }
0x3b: {  	_ = 	snop  }
0x3c: {  	p2 =	seq.s32 s10, $0x1;
	s10 =	sld [smem:$0x3FB8]  }
0x3d: {  	_ =	shalt  }
0x3e: {  	_ =	shalt  }
0x3f: {  	_ =	shalt  }
0x40: {  	_ =	shalt  }
0x41: {  	_ =	shalt  }
0x42: {  	_ =	shalt  }
0x43: {  	_ =	shalt  }
0x44: {  	_ =	shalt  }
0x45: {  	_ =	shalt  }
0x46: {  	_ =	shalt  }
0x47: {  	_ =	shalt  }
0x48: {  	_ =	shalt  }
0x49: {  	_ =	shalt  }
0x4a: {  	_ =	shalt  }
0x4b: {  	_ =	shalt  }
0x4c: {  	_ =	shalt  }
0x4d: {  	_ =	shalt  }
0x4e: {  	_ =	shalt  }
0x4f: {  	_ =	shalt  }
0x50: {  	_ =	shalt  }
0x51: {  	_ =	shalt  }
0x52: {  	_ =	shalt  }
0x53: {  	_ =	shalt  }
0x54: {  	_ =	shalt  }
0x55: {  	_ =	shalt  }
0x56: {  	_ =	shalt  }
0x57: {  	_ =	shalt  }
0x58: {  	_ =	shalt  }
0x59: {  	_ =	shalt  }
0x5a: {  	_ =	shalt  }
0x5b: {  	_ =	shalt  }
0x5c: {  	_ =	shalt  }
0x5d: {  	_ =	shalt  }
0x5e: {  	_ =	shalt  }
0x5f: {  	_ =	shalt  }
0x60: {  	_ =	shalt  }
0x61: {  	_ =	shalt  }
0x62: {  	_ =	shalt  }
0x63: {  	_ =	shalt  }
0x64: {  	_ =	shalt  }
0x65: {  	_ =	shalt  }
0x66: {  	_ =	shalt  }
0x67: {  	_ =	shalt  }
0x68: {  	_ =	shalt  }
0x69: {  	_ =	shalt  }
0x6a: {  	_ =	shalt  }
0x6b: {  	_ =	shalt  }
0x6c: {  	_ =	shalt  }
0x6d: {  	_ =	shalt  }
0x6e: {  	_ =	shalt  }
0x6f: {  	_ =	shalt  }
0x70: {  	_ =	shalt  }
0x71: {  	_ =	shalt  }
0x72: {  	_ =	shalt  }
0x73: {  	_ =	shalt  }
0x74: {  	_ =	shalt  }
0x75: {  	_ =	shalt  }
0x76: {  	_ =	shalt  }
0x77: {  	_ =	shalt  }
0x78: {  	_ =	shalt  }
0x79: {  	_ =	shalt  }
0x7a: {  	_ =	shalt  }
0x7b: {  	_ =	shalt  }
0x7c: {  	_ =	shalt  }
0x7d: {  	_ =	shalt  }
0x7e: {  	_ =	shalt  }
0x7f: {  	_ =	shalt  }
0x80: {  	_ =	shalt  }
0x81: {  	_ =	shalt  }
0x82: {  	_ =	shalt  }
0x83: {  	_ =	shalt  }
0x84: {  	_ =	shalt  }
0x85: {  	_ =	shalt  }
0x86: {  	_ =	shalt  }
0x87: {  	_ =	shalt  }
.Lfunc_end0:
.L_simem_size_0:
called_computation_lowered:
.L_overlay_start_0:
0x88: {  	s2 =	sld [smem:$0x3FD9]  }
0x89: {  	s3 =	sld [smem:$0x3FFE];
	_ =	sdelay $0x1  }
0x8a: {  	s1 =	srdreg.scid  }
0x8b: {  	s0 =	sand.u32 $0x1, s1  }
0x8c: {  	s15 =	sshll.u32 s0, $0xA;
	s2 =	sadd.s32 s3, s2  }
0x8d: {  	s2 =	sadd.s32 s2, s15  }
0x8e: {  	[smem:$0x3FC4] =	sst s2  }
0x8f: {  	_ = 	snop  }
0x90: {  	s2 =	sld [smem:$0x3FC9]  }
0x91: {  	s16 =	sld [smem:$0x3FD0]  }
0x92: {  	s4 =	sld [smem:$0x3FC8]  }
0x93: {  	s5 =	sld [smem:$0x3FC7]  }
0x94: {  	s7 =	simm.s32 $0xA;
	s8 =	simm.s32 $0x10;
	s6 =	sld [smem:$0x3FC6]  }
0x95: {  	[smem:s8], [sflag:s7] =	dma.local [hbm:s16], $0x1  }
0x96: {  	_ =	swait.eq [sflag:s7], $0x1  }
0x97: {  	[sflag:s7] =	ssyncset.done $0x0  }
0x98: {  	s17 =	sld [smem:$0x10];
	[sflag:s7] =	ssyncadd.s32 $0xFFFFFFFF  }
0x99: {  	s18 =	sld [smem:$0x11];
	(tm) =	ssettm $0x1  }
0x9a: {  	s19 =	sld [smem:$0x3FFB];
	_ =	sdelay $0x3  }
0x9b: {  	_ =	strace s19  }
0x9c: {  	s8 =	sld [smem:$0x3FFC];
	_ =	sdelay $0x3  }
0x9d: {  	_ =	strace s8  }
0x9e: {  	s8 =	sld [smem:$0x3FFD];
	_ =	sdelay $0x3  }
0x9f: {  	_ =	strace s8  }
0xa0: {  	_ =	strace $0x8FFFFFFF  }
0xa1: {  	s20 =	sld [smem:$0x3FDB];
	_ =	sdelay $0x1  }
0xa2: {  	s9 =	simm.s32 $_scs_section_size  }
0xa3: {  	s10 =	simm.s32 $_size__tile_overlayer_lowered;
	s11 =	simm.s32 $_tile_overlayer_lowered  }
0xa4: {  	s23 =	simm.s32 $0x1BFF;
	s22 =	sshll.u32 s11, $0x1;
	s8 =	sadd.s32 s9, s20  }
0xa5: {  	s12 =	simm.s32 $0x0;
	s21 =	sshll.u32 s10, $0x1;
	s10 =	sadd.s32 s22, s8  }
0xa6: {  	[timem:s12], [sflag:s23] =	dma.local [hbm:s10], s21  }
0xa7: {  	_ =	swait.ge [sflag:s23], s21  }
0xa8: {  	s9 =	ssub.s32 $0x0, s21;
	[sflag:s23] =	ssyncset.done $0x0  }
0xa9: {  	[sflag:s23] =	ssyncadd.s32 s9;
	_ =	sdelay $0x1  }
0xaa: {  	s24 =	simm.s32 $0x1B8B  }
0xab: {  	_ =	swait.ge [sflag:s24], $0x1  }
0xac: {  	[sflag:s24] =	ssyncset.done $0x0  }
0xad: {  	s25 =	simm.s32 $0x1B8E;
	[sflag:s24] =	ssyncadd.s32 $0xFFFFFFFF  }
0xae: {  	s26 =	simm.s32 $execute0_lowered;
	[smem:$0x3FD2] =	sst s25  }
0xaf: {  	s9 =	sshll.u32 s26, $0x1;
	_ =	strace $0x80000046;
	[dreg:$0x1] =	wrdreg $0xFFFFFFFF  }
0xb0: {  	s28 =	simm.s32 $_size_execute0_lowered;
	s8 =	sadd.s32 s8, s9;
	[dreg:$0x0] =	wrdreg $0x0  }
0xb1: {  	s9 =	sshll.u32 s28, $0x1;
	[dreg:$0x2] =	wrdreg s8  }
0xb2: {  	[dreg:$0x3] =	wrdreg s9  }
0xb3: {  	[dreg:$0x4] =	wrdreg $0xC0  }
0xb4: {  	_ =	task [dreg:s12], $0x5FFFF  }
0xb5: {  	[dreg:$0x1] =	wrdreg $0xFFFFFFFF  }
0xb6: {  	[dreg:$0x0] =	wrdreg $0x60  }
0xb7: {  	[dreg:$0x2] =	wrdreg s2  }
0xb8: {  	[dreg:$0x3] =	wrdreg s4  }
0xb9: {  	[dreg:$0x4] =	wrdreg s5  }
0xba: {  	[dreg:$0x5] =	wrdreg s6  }
0xbb: {  	[dreg:$0x6] =	wrdreg s17  }
0xbc: {  	[dreg:$0x7] =	wrdreg s18  }
0xbd: {  	[dreg:$0x8] =	wrdreg $0x9  }
0xbe: {  	_ =	task.clear_ibuf [dreg:s12], $0x9FFFF;
	_ =	strace $0x90000046  }
0xbf: {  	s29 =	simm.s32 $0x9;
	_ =	strace $0x80000048  }
0xc0: {  	_ =	swait.ge [sflag:s29], $0x1  }
0xc1: {  	[sflag:s29] =	ssyncadd.s32 $0xFFFFFFFF  }
0xc2: {  	_ =	strace $0x90000048  }
0xc3: {  	_ =	sfence  }
0xc4: {  	s30 =	sld [smem:$0x0];
	_ =	sdelay $0x2  }
0xc5: {  	s31 =	sshll.u32 s1, $0xD;
	s1 =	sshrl.u32 s1, $0x2  }
0xc6: {  	s3 =	sand.u32 $0x4000, s31;
	s1 =	sadd.s32 s1, s30  }
0xc7: {  	s0 =	sor.u32 s3, s0;
	s1 =	sshll.u32 s1, $0x11  }
0xc8: {  	s0 =	sor.u32 s1, s0  }
0xc9: {  	s0 =	sadd.s32 $0x8F2B, s0  }
0xca: {  	[sflag:s0] =	ssyncadd.remote.s32 $0x1  }
0xcb: {  	_ =	sfence.sel $0xFFFF  }
0xcc: {  	[dreg:$0x0] =	wrdreg $0xFFFFFFFF;
	(pc) =	sbr.abs _section_cstart, $3  }
0xcd: {  	[dreg:$0x1] =	wrdreg $0xFFFFFFFF  }
0xce: {  	_ =	task.clear_ibuf [dreg:s12], $0x2FFFF;
	_ =	strace $0x9FFFFFFF  }
0xcf: {  	(tm) =	ssettm $0x7FFFFFFF  }
tec
execute0_lowered:
.L_overlay_start_1:
0x0: {  	(tag) =	ssettag $0x1  }
0x1: {  	s1 =	rddreg [dreg:$0x0]  }
0x2: {  	s2 =	rddreg [dreg:$0x1];
	s0 =	srdreg.scid  }
0x3: {  	s3 =	stileid.u32;
	s6 =	rddreg [dreg:$0x4]  }
0x4: {  	s8 =	rddreg [dreg:$0x5];
	s9 =	simm.s32 $0x0;
	s18 =	simm.s32 $0x800  }
0x5: {  	s19 =	simm.s32 $0x7A1400;
	s20 =	simm.s32 $0x4000;
	s21 =	simm.s32 $0x8000  }
0x6: {  	s22 =	simm.s32 $0xC000;
	s0 =	sand.u32 $0x1, s0;
	s3 =	sshll.u32 s3, $0x1  }
0x7: {  	s23 =	simm.s32 $0x2;
	s24 =	simm.s32 $0x3;
	s3 =	sor.u32 s0, s3  }
0x8: {  	s25 =	simm.s32 $0x0;
	s0 =	ssub.s32 $0x2, s0;
	s7 =	smul.u32 $0x7B, s3  }
0x9: {  	[smem:$0x7FF] =	sst s9;
	s10 =	sshrl.u32 s0, $0x1;
	s15 =	smul.u32 $0x7B00, s3  }
0xa: {  	_ =	strace $0x80000047;
	p2 =	sne.s32 s3, $0x1E;
	s0 =	ssub.s32 s0, s10  }
0xb: {  	s4 =	smin.u32 s7, $0xEC7;
	s30 =	sadd.s32 $0x1, s7;
	s31 =	sadd.s32 s1, s15  }
0xc: {  	s15 =	sadd.s32 s2, s15;
	s17 =	smax.u32 s0, $0x1;
	s5 =	ssub.s32 s4, s7  }
0xd: {  	s10 =	sadd.s32 $0x7A, s4;
	[dreg:$0x7] =	wrdreg s31;
	s11 =	sadd.s32 $0x7B, s5  }
0xe: {  	s12 =	sadd.s32 $0x7C, s5;
	p0 =	slt.u32 s11, $0x7FFFFFFF;
	s11 =	simm.s32 $0x1  }
0xf: {  	s5 =	sand.u32 $0x1, s5;
	s14 =	sshra.s32 s12, $0x1F;
	s11 =	simm.s32 @!p0 $0x0  }
0x10: {  	s4 =	smin.u32 s30, s10;
	s13 =	sand.u32 $0x8000, s12;
	s11 =	sadd.s32 s11, s14  }
0x11: {  	p1 =	seq.s32 s5, $0x1;
	s13 =	sshrl.u32 s13, $0xF;
	p6 =	sne.s32 s11, $0x1  }
.Ltmp0:
0x12: {  	s12 =	sadd.s32 s13, s12;
	p0 =	por !p6, !p1;
	(pc) =	sbr.rel .LBB2_1-.Ltmp0, $4  }
0x13: {  	s29 =	sshll.u32 s12, $0x10;
	s12 =	simm.s32 $0x1;
	p0 =	por !p0, !p0  }
0x14: {  	v0 =	vlaneseq.u32;
	s4 =	sshll.u32 s4, $0x8;
	s5 =	sshra.s32 s29, $0x11;
	s12 =	simm.s32 @!p0 $0x0  }
0x15: {  	v1 =	vand.u32 $0x7, v0;
	v2 =	vand.u32 $0x1, v0;
	s16 =	sadd.s32 s2, s4;
	s14 =	sadd.s32 s1, s4;
	s12 =	ssub.s32 s5, s12  }
0x16: {  	v1 =	vmul.u32 $0x80, v1;
	v2 =	vmul.u32 $0x40, v2;
	s11 =	simm.s32 $0x1;
	p1 =	seq.s32 s3, $0x1F;
	p0 =	slt.s32 s12, $0x1  }
.LBB2_23:
0x17: {  	s3 =	rddreg [dreg:$0x2];
	s0 =	smov.u32 s6  }
.LBB2_24:
0x18: {  	[tilespmem:s21], [sflag:$0x3] =	stream.linear.gather [hbm4b:s3+s9], $0x1000, $0x38;
	[tilespmem:$0x10000] =	vst v63  }
0x19: {  	_ =	swait.ge [sflag:s24], $0x1000  }
0x1a: {  	[sflag:s24] =	ssyncset.done $0x0  }
0x1b: {  	s0 =	sadd.s32 $0x7A1000, s0;
	[sflag:s24] =	ssyncadd.s32 $0xFFFFF000  }
0x1c: {  	[hbm4b:s0+s9] =	stream.linear.scatter [tilespmem:s21], [sflag:$0x3], $0x1000, $0x38;
	[tilespmem:$0x10000] =	vst v63  }
0x1d: {  	_ =	swait.ge [sflag:s24], $0x1000  }
0x1e: {  	[sflag:s24] =	ssyncset.done $0x0  }
0x1f: {  	[sflag:s24] =	ssyncadd.s32 $0xFFFFF000  }
.LBB2_25:
0x20: {  	s25 =	sadd.s32 $0x1, s25  }
0x21: {  	p3 =	sne.s32 s25, s17  }
.Ltmp1:
0x22: {  	_ = 	snop;
	(pc) =	sbr.rel @!p3 .LBB2_26-.Ltmp1, $1  }
0x23: {  	_ =	sdelay $0x3  }
.LBB2_1:
.Ltmp2:
0x24: {  	(pc) =	sbr.rel @p0 .LBB2_11-.Ltmp2, $4  }
0x25: {  	s0 =	rddreg [dreg:$0x7]  }
0x26: {  	[tilespmem:s9], [sflag:$0x1] =	stream.strided.gather [hbm4b:s0+s18], $0x4000, s19, s18, $0x38;
	[tilespmem:$0x10000] =	vst v63  }
0x27: {  	s26 =	simm.s32 $0x0  }
0x28: {  	[tilespmem:s20], [sflag:$0x1] =	stream.strided.gather [hbm4b:s14+s18], $0x4000, s19, s18, $0x38;
	[tilespmem:$0x10000] =	vst v63  }
.LBB2_2:
0x29: {  	p3 =	seq.s32 s26, $0x0  }
0x2a: {  	s0 =	simm.s32 @!p3 $0x2  }
0x2b: {  	_ =	swait.ge @!p3 [sflag:s0], $0x4000  }
0x2c: {  	s3 =	sshll.u32 s26, $0x1;
	s28 =	smov.u32 s10;
	[sflag:s0] =	ssyncset.done @!p3 $0x0  }
0x2d: {  	s31 =	smov.u32 s10;
	s30 =	sadd.s32 s7, s3;
	[sflag:s0] =	ssyncadd.s32 @!p3 $0xFFFFC000  }
0x2e: {  	s29 =	smov.u32 s10;
	s3 =	sadd.s32 $0x1, s30;
	_ =	swait.ge @!p3 [sflag:s0], $0x4000  }
0x2f: {  	s4 =	sadd.s32 $0x3, s30;
	p4 =	slt.s32 s3, s10;
	[sflag:s0] =	ssyncset.done @!p3 $0x0  }
0x30: {  	s28 =	smov.u32 @p4 s3;
	p4 =	slt.s32 s4, s10;
	[sflag:s0] =	ssyncadd.s32 @!p3 $0xFFFFC000  }
0x31: {  	s3 =	sadd.s32 $0x2, s30;
	s29 =	smov.u32 @p4 s4;
	_ =	swait.ge [sflag:s11], $0x4000  }
0x32: {  	s4 =	simm.s32 $0x0;
	p3 =	slt.s32 s3, s10;
	[sflag:s11] =	ssyncset.done $0x0  }
0x33: {  	s0 =	simm.s32 $0x0;
	s31 =	smov.u32 @p3 s3;
	[sflag:s11] =	ssyncadd.s32 $0xFFFFC000  }
.LBB2_3:
0x34: {  	s3 =	sshll.u32 s0, $0x4  }
0x35: {  	v8 =	vadd.s32 s4, v0;
	s5 =	simm.s32 $0x7;
	v4 =	vor.u32 s3, v0  }
0x36: {  	v3 =	vmov s3;
	v7 =	vadd.s32 s5, v0;
	v5 =	vand.u32 $0x7F, v4  }
0x37: {  	v3 =	vshll.u32 v3, $0x3;
	v4 =	vshll.u32 v4, $0x6;
	v9 =	vshll.u32 v7, $0x8  }
0x38: {  	s13 =	simm.s32 $0x6;
	v10 =	vshll.u32 v7, $0x7;
	v3 =	vand.u32 $0x400, v3;
	v6 =	vand.u32 $0x3F80, v4  }
0x39: {  	v11 =	vand.u32 $0x3800, v9;
	v12 =	vand.u32 $0x380, v10;
	v9 =	vadd.s32 s13, v0  }
0x3a: {  	v4 =	vor.u32 v3, v5;
	v3 =	vor.u32 v2, v6;
	v5 =	vand.u32 $0x3F, v8  }
0x3b: {  	v8 =	vshll.u32 v8, $0x8;
	v11 =	vor.u32 v11, v12;
	v12 =	vshll.u32 v9, $0x8  }
0x3c: {  	v13 =	vshll.u32 v9, $0x7;
	v6 =	vor.u32 v1, v4;
	v5 =	vor.u32 v5, v3  }
0x3d: {  	s5 =	simm.s32 $0x5;
	v8 =	vand.u32 $0x3800, v8;
	v12 =	vand.u32 $0x3800, v12;
	v13 =	vand.u32 $0x380, v13  }
0x3e: {  	v10 =	vor.u32 v8, v6;
	v8 =	vadd.s32 s5, v0;
	s5 =	simm.s32 $0x4;
	v16 =	vor.u32 v12, v13  }
0x3f: {  	v14 =	vshll.u32 v8, $0x8;
	v15 =	vshll.u32 v8, $0x7;
	v12 =	vadd.s32 s5, v0  }
0x40: {  	v16 =	vor.u32 v4, v16;
	v14 =	vand.u32 $0x3800, v14;
	v15 =	vand.u32 $0x380, v15  }
0x41: {  	s13 =	simm.s32 $0x3;
	v17 =	vshll.u32 v12, $0x7;
	v14 =	vor.u32 v14, v15;
	v15 =	vor.u32 v4, v11  }
0x42: {  	v11 =	vadd.s32 s13, v0;
	v17 =	vand.u32 $0x380, v17;
	v13 =	vor.u32 v4, v14  }
0x43: {  	v14 =	vshll.u32 v12, $0x8;
	v18 =	vshll.u32 v11, $0x8;
	v19 =	vshll.u32 v11, $0x7  }
0x44: {  	s13 =	simm.s32 $0x2;
	v20 =	vand.u32 $0x3800, v14;
	v18 =	vand.u32 $0x3800, v18;
	v19 =	vand.u32 $0x380, v19  }
0x45: {  	v14 =	vadd.s32 s13, v0;
	v18 =	vor.u32 v18, v19;
	v20 =	vor.u32 v20, v17  }
0x46: {  	s3 =	simm.s32 $0x8;
	s5 =	simm.s32 $0x1;
	v19 =	vshll.u32 v14, $0x8;
	v17 =	vor.u32 v4, v18;
	v18 =	vor.u32 v4, v20  }
.LBB2_4:
0x47: {  	p3 =	slt.u32 s3, $0x38;
	v20 =	vadd.s32 s5, v0;
	v19 =	vand.u32 $0x3800, v19;
	v21 =	vshll.u32 v14, $0x7  }
0x48: {  	v22 =	vshll.u32 v20, $0x8;
	v23 =	vshll.u32 v20, $0x7;
	v21 =	vand.u32 $0x380, v21  }
0x49: {  	v10 =	vld.idx.msk [tilespmem:v10+s9+$0x0], $0xffff;
	v22 =	vand.u32 $0x3800, v22;
	v23 =	vand.u32 $0x380, v23;
	v19 =	vor.u32 v19, v21  }
0x4a: {  	v7 =	vand.u32 $0x3F, v7;
	v21 =	vor.u32 v22, v23;
	v19 =	vor.u32 v4, v19;
	v15 =	vld.idx.msk [tilespmem:v15+s9+$0x0], $0xffff  }
0x4b: {  	v9 =	vand.u32 $0x3F, v9;
	v22 =	vor.u32 v7, v3;
	v21 =	vor.u32 v4, v21;
	v16 =	vld.idx.msk [tilespmem:v16+s9+$0x0], $0xffff  }
0x4c: {  	v8 =	vand.u32 $0x3F, v8;
	v9 =	vor.u32 v9, v3;
	v7 =	vadd.s32 s3, v0;
	v13 =	vld.idx.msk [tilespmem:v13+s9+$0x0], $0xffff  }
0x4d: {  	v12 =	vand.u32 $0x3F, v12;
	v8 =	vor.u32 v8, v3;
	v23 =	vand.u32 $0x3F, v7;
	v18 =	vld.idx.msk [tilespmem:v18+s9+$0x0], $0xffff  }
0x4e: {  	v11 =	vand.u32 $0x3F, v11;
	v12 =	vor.u32 v12, v3;
	v23 =	vor.u32 v23, v3;
	v17 =	vld.idx.msk [tilespmem:v17+s9+$0x0], $0xffff  }
0x4f: {  	s5 =	sadd.s32 $0x7, s3;
	v25 =	vand.u32 $0x3F, v14;
	v11 =	vor.u32 v11, v3;
	v24 =	vshll.u32 v7, $0x8;
	[tilespmem:v5+s21+$0x0] =	vst.idx.msk $0xffff, v10;
	v14 =	vld.idx.msk [tilespmem:v19+s9+$0x0], $0xffff  }
0x50: {  	v7 =	vadd.s32 s5, v0;
	v10 =	vand.u32 $0x3F, v20;
	v20 =	vor.u32 v25, v3;
	v19 =	vld.idx.msk [tilespmem:v21+s9+$0x0], $0xffff;
	[tilespmem:v22+s21+$0x0] =	vst.idx.msk $0xffff, v15  }
0x51: {  	v5 =	vmovc v23;
	v15 =	vshll.u32 v7, $0x8;
	v21 =	vshll.u32 v7, $0x7;
	v22 =	vor.u32 v10, v3;
	[tilespmem:v9+s21+$0x0] =	vst.idx.msk $0xffff, v16  }
0x52: {  	s5 =	sadd.s32 $0x6, s3;
	v9 =	vand.u32 $0x3800, v24;
	v15 =	vand.u32 $0x3800, v15;
	v16 =	vand.u32 $0x380, v21;
	[tilespmem:v8+s21+$0x0] =	vst.idx.msk $0xffff, v13  }
0x53: {  	s13 =	sadd.s32 $0x5, s3;
	v10 =	vor.u32 v9, v6;
	v9 =	vadd.s32 s5, v0;
	v13 =	vor.u32 v15, v16;
	[tilespmem:v12+s21+$0x0] =	vst.idx.msk $0xffff, v18  }
0x54: {  	v8 =	vadd.s32 s13, v0;
	v12 =	vshll.u32 v9, $0x8;
	v15 =	vshll.u32 v9, $0x7;
	[tilespmem:v11+s21+$0x0] =	vst.idx.msk $0xffff, v17  }
0x55: {  	v16 =	vshll.u32 v8, $0x7;
	v11 =	vshll.u32 v8, $0x8;
	v12 =	vand.u32 $0x3800, v12;
	[tilespmem:v20+s21+$0x0] =	vst.idx.msk $0xffff, v14  }
0x56: {  	v15 =	vand.u32 $0x380, v15;
	v11 =	vand.u32 $0x3800, v11;
	v14 =	vand.u32 $0x380, v16;
	[tilespmem:v22+s21+$0x0] =	vst.idx.msk $0xffff, v19  }
0x57: {  	s5 =	sadd.s32 $0x4, s3;
	v11 =	vor.u32 v11, v14;
	v14 =	vor.u32 v12, v15;
	v15 =	vor.u32 v4, v13  }
0x58: {  	s13 =	sadd.s32 $0x3, s3;
	v12 =	vadd.s32 s5, v0;
	v13 =	vor.u32 v4, v11;
	v16 =	vor.u32 v4, v14  }
.Ltmp3:
0x59: {  	v11 =	vadd.s32 s13, v0;
	v14 =	vshll.u32 v12, $0x8;
	v17 =	vshll.u32 v12, $0x7;
	(pc) =	sbr.rel @p3 .LBB2_4-.Ltmp3, $4  }
0x5a: {  	v18 =	vshll.u32 v11, $0x8;
	v19 =	vshll.u32 v11, $0x7;
	v20 =	vand.u32 $0x3800, v14  }
0x5b: {  	s5 =	sadd.s32 $0x2, s3;
	v17 =	vand.u32 $0x380, v17;
	v18 =	vand.u32 $0x3800, v18;
	v19 =	vand.u32 $0x380, v19  }
0x5c: {  	v14 =	vadd.s32 s5, v0;
	v20 =	vor.u32 v20, v17;
	v18 =	vor.u32 v18, v19  }
0x5d: {  	s5 =	sadd.s32 $0x1, s3;
	s3 =	sadd.s32 $0x8, s3;
	v19 =	vshll.u32 v14, $0x8;
	v17 =	vor.u32 v4, v18;
	v18 =	vor.u32 v4, v20  }
0x5e: {  	_ = 	snop  }
0x5f: {  	v6 =	vadd.s32 s5, v0;
	v19 =	vand.u32 $0x3800, v19  }
0x60: {  	v20 =	vshll.u32 v14, $0x7;
	v7 =	vand.u32 $0x3F, v7;
	v9 =	vand.u32 $0x3F, v9  }
0x61: {  	v21 =	vshll.u32 v6, $0x8;
	v22 =	vshll.u32 v6, $0x7;
	v20 =	vand.u32 $0x380, v20  }
0x62: {  	v10 =	vld.idx.msk [tilespmem:v10+s9+$0x0], $0xffff;
	v21 =	vand.u32 $0x3800, v21;
	v22 =	vand.u32 $0x380, v22;
	v19 =	vor.u32 v19, v20  }
0x63: {  	v15 =	vld.idx.msk [tilespmem:v15+s9+$0x0], $0xffff;
	v7 =	vor.u32 v7, v3;
	v59 =	vor.u32 v21, v22;
	v19 =	vor.u32 v4, v19  }
0x64: {  	v16 =	vld.idx.msk [tilespmem:v16+s9+$0x0], $0xffff;
	v8 =	vand.u32 $0x3F, v8;
	v9 =	vor.u32 v9, v3;
	v60 =	vor.u32 v4, v59  }
0x65: {  	v13 =	vld.idx.msk [tilespmem:v13+s9+$0x0], $0xffff;
	v12 =	vand.u32 $0x3F, v12;
	v8 =	vor.u32 v8, v3  }
0x66: {  	v18 =	vld.idx.msk [tilespmem:v18+s9+$0x0], $0xffff;
	v11 =	vand.u32 $0x3F, v11;
	v12 =	vor.u32 v12, v3  }
0x67: {  	v17 =	vld.idx.msk [tilespmem:v17+s9+$0x0], $0xffff;
	v61 =	vand.u32 $0x3F, v14;
	v62 =	vor.u32 v11, v3;
	[tilespmem:v5+s21+$0x0] =	vst.idx.msk $0xffff, v10  }
0x68: {  	s0 =	sadd.s32 $0x1, s0;
	v6 =	vand.u32 $0x3F, v6;
	v5 =	vor.u32 v61, v3;
	[tilespmem:v7+s21+$0x0] =	vst.idx.msk $0xffff, v15;
	v63 =	vld.idx.msk [tilespmem:v19+s9+$0x0], $0xffff  }
0x69: {  	p3 =	sne.s32 s0, $0x10;
	v3 =	vor.u32 v6, v3;
	[tilespmem:v9+s21+$0x0] =	vst.idx.msk $0xffff, v16;
	v4 =	vld.idx.msk [tilespmem:v60+s9+$0x0], $0xffff  }
.Ltmp4:
0x6a: {  	[tilespmem:v8+s21+$0x0] =	vst.idx.msk $0xffff, v13;
	(pc) =	sbr.rel @p3 .LBB2_3-.Ltmp4, $4  }
0x6b: {  	[tilespmem:v12+s21+$0x0] =	vst.idx.msk $0xffff, v18  }
0x6c: {  	[tilespmem:v62+s21+$0x0] =	vst.idx.msk $0xffff, v17  }
0x6d: {  	[tilespmem:v5+s21+$0x0] =	vst.idx.msk $0xffff, v63  }
0x6e: {  	[tilespmem:v3+s21+$0x0] =	vst.idx.msk $0xffff, v4  }
0x6f: {  	s0 =	sshll.u32 s30, $0xB  }
0x70: {  	s0 =	sand.u32 $0x1FFFF800, s0  }
0x71: {  	s30 =	simm.s32 $0x0;
	s31 =	sshll.u32 s31, $0x8;
	s0 =	sadd.s32 s6, s0  }
0x72: {  	[hbm4b:s0+s30] =	stream.linear.scatter [tilespmem:s21], [sflag:$0x2], $0x4000, $0x38;
	[tilespmem:$0x10000] =	vst v63  }
0x73: {  	s0 =	sand.u32 $0x1FFFFF00, s31  }
0x74: {  	s0 =	sadd.s32 s1, s0  }
0x75: {  	[tilespmem:s30], [sflag:$0x1] =	stream.strided.gather [hbm4b:s0+s18], $0x4000, s19, s18, $0x38;
	[tilespmem:$0x10000] =	vst v63  }
0x76: {  	_ =	swait.ge [sflag:s11], $0x4000  }
0x77: {  	[sflag:s11] =	ssyncset.done $0x0  }
0x78: {  	s0 =	simm.s32 $0x0;
	[sflag:s11] =	ssyncadd.s32 $0xFFFFC000  }
.LBB2_7:
0x79: {  	s3 =	sshll.u32 s0, $0x4  }
0x7a: {  	v8 =	vadd.s32 s30, v0;
	s13 =	simm.s32 $0x7;
	v4 =	vor.u32 s3, v0  }
0x7b: {  	v3 =	vmov s3;
	v7 =	vadd.s32 s13, v0;
	v5 =	vand.u32 $0x7F, v4  }
0x7c: {  	v3 =	vshll.u32 v3, $0x3;
	v4 =	vshll.u32 v4, $0x6;
	v9 =	vshll.u32 v7, $0x8  }
0x7d: {  	s31 =	simm.s32 $0x6;
	v10 =	vshll.u32 v7, $0x7;
	v3 =	vand.u32 $0x400, v3;
	v6 =	vand.u32 $0x3F80, v4  }
0x7e: {  	v11 =	vand.u32 $0x3800, v9;
	v12 =	vand.u32 $0x380, v10;
	v9 =	vadd.s32 s31, v0  }
0x7f: {  	v4 =	vor.u32 v3, v5;
	v3 =	vor.u32 v2, v6;
	v5 =	vand.u32 $0x3F, v8  }
0x80: {  	v8 =	vshll.u32 v8, $0x8;
	v11 =	vor.u32 v11, v12;
	v12 =	vshll.u32 v9, $0x8  }
0x81: {  	v13 =	vshll.u32 v9, $0x7;
	v6 =	vor.u32 v1, v4;
	v5 =	vor.u32 v5, v3  }
0x82: {  	s4 =	simm.s32 $0x5;
	v8 =	vand.u32 $0x3800, v8;
	v12 =	vand.u32 $0x3800, v12;
	v13 =	vand.u32 $0x380, v13  }
0x83: {  	s5 =	simm.s32 $0x4;
	v10 =	vor.u32 v8, v6;
	v8 =	vadd.s32 s4, v0;
	v16 =	vor.u32 v12, v13  }
0x84: {  	v12 =	vadd.s32 s5, v0;
	v14 =	vshll.u32 v8, $0x8;
	v15 =	vshll.u32 v8, $0x7  }
0x85: {  	v17 =	vshll.u32 v12, $0x7;
	v14 =	vand.u32 $0x3800, v14;
	v15 =	vand.u32 $0x380, v15  }
0x86: {  	s13 =	simm.s32 $0x3;
	v16 =	vor.u32 v4, v16;
	v17 =	vand.u32 $0x380, v17;
	v14 =	vor.u32 v14, v15  }
0x87: {  	v15 =	vor.u32 v4, v11;
	v11 =	vadd.s32 s13, v0;
	v13 =	vor.u32 v4, v14  }
0x88: {  	v14 =	vshll.u32 v12, $0x8;
	v18 =	vshll.u32 v11, $0x8;
	v19 =	vshll.u32 v11, $0x7  }
0x89: {  	s31 =	simm.s32 $0x2;
	v20 =	vand.u32 $0x3800, v14;
	v18 =	vand.u32 $0x3800, v18;
	v19 =	vand.u32 $0x380, v19  }
0x8a: {  	v14 =	vadd.s32 s31, v0;
	v18 =	vor.u32 v18, v19;
	v20 =	vor.u32 v20, v17  }
0x8b: {  	s3 =	simm.s32 $0x8;
	s4 =	simm.s32 $0x1;
	v19 =	vshll.u32 v14, $0x8;
	v17 =	vor.u32 v4, v18;
	v18 =	vor.u32 v4, v20  }
.LBB2_8:
0x8c: {  	p3 =	slt.u32 s3, $0x38;
	v20 =	vadd.s32 s4, v0;
	v19 =	vand.u32 $0x3800, v19;
	v21 =	vshll.u32 v14, $0x7  }
0x8d: {  	v22 =	vshll.u32 v20, $0x8;
	v23 =	vshll.u32 v20, $0x7;
	v21 =	vand.u32 $0x380, v21  }
0x8e: {  	v10 =	vld.idx.msk [tilespmem:v10+s20+$0x0], $0xffff;
	v22 =	vand.u32 $0x3800, v22;
	v23 =	vand.u32 $0x380, v23;
	v19 =	vor.u32 v19, v21  }
0x8f: {  	v7 =	vand.u32 $0x3F, v7;
	v21 =	vor.u32 v22, v23;
	v19 =	vor.u32 v4, v19;
	v15 =	vld.idx.msk [tilespmem:v15+s20+$0x0], $0xffff  }
0x90: {  	v9 =	vand.u32 $0x3F, v9;
	v22 =	vor.u32 v7, v3;
	v21 =	vor.u32 v4, v21;
	v16 =	vld.idx.msk [tilespmem:v16+s20+$0x0], $0xffff  }
0x91: {  	v8 =	vand.u32 $0x3F, v8;
	v9 =	vor.u32 v9, v3;
	v7 =	vadd.s32 s3, v0;
	v13 =	vld.idx.msk [tilespmem:v13+s20+$0x0], $0xffff  }
0x92: {  	v12 =	vand.u32 $0x3F, v12;
	v8 =	vor.u32 v8, v3;
	v23 =	vand.u32 $0x3F, v7;
	v18 =	vld.idx.msk [tilespmem:v18+s20+$0x0], $0xffff  }
0x93: {  	v11 =	vand.u32 $0x3F, v11;
	v12 =	vor.u32 v12, v3;
	v23 =	vor.u32 v23, v3;
	v17 =	vld.idx.msk [tilespmem:v17+s20+$0x0], $0xffff  }
0x94: {  	s4 =	sadd.s32 $0x7, s3;
	v25 =	vand.u32 $0x3F, v14;
	v11 =	vor.u32 v11, v3;
	v24 =	vshll.u32 v7, $0x8;
	[tilespmem:v5+s22+$0x0] =	vst.idx.msk $0xffff, v10;
	v14 =	vld.idx.msk [tilespmem:v19+s20+$0x0], $0xffff  }
0x95: {  	v7 =	vadd.s32 s4, v0;
	v10 =	vand.u32 $0x3F, v20;
	v20 =	vor.u32 v25, v3;
	v19 =	vld.idx.msk [tilespmem:v21+s20+$0x0], $0xffff;
	[tilespmem:v22+s22+$0x0] =	vst.idx.msk $0xffff, v15  }
0x96: {  	v5 =	vmovc v23;
	v15 =	vshll.u32 v7, $0x8;
	v21 =	vshll.u32 v7, $0x7;
	v22 =	vor.u32 v10, v3;
	[tilespmem:v9+s22+$0x0] =	vst.idx.msk $0xffff, v16  }
0x97: {  	s4 =	sadd.s32 $0x6, s3;
	v9 =	vand.u32 $0x3800, v24;
	v15 =	vand.u32 $0x3800, v15;
	v16 =	vand.u32 $0x380, v21;
	[tilespmem:v8+s22+$0x0] =	vst.idx.msk $0xffff, v13  }
0x98: {  	s5 =	sadd.s32 $0x5, s3;
	v10 =	vor.u32 v9, v6;
	v9 =	vadd.s32 s4, v0;
	v13 =	vor.u32 v15, v16;
	[tilespmem:v12+s22+$0x0] =	vst.idx.msk $0xffff, v18  }
0x99: {  	v8 =	vadd.s32 s5, v0;
	v12 =	vshll.u32 v9, $0x8;
	v15 =	vshll.u32 v9, $0x7;
	[tilespmem:v11+s22+$0x0] =	vst.idx.msk $0xffff, v17  }
0x9a: {  	v16 =	vshll.u32 v8, $0x7;
	v11 =	vshll.u32 v8, $0x8;
	v12 =	vand.u32 $0x3800, v12;
	[tilespmem:v20+s22+$0x0] =	vst.idx.msk $0xffff, v14  }
0x9b: {  	v15 =	vand.u32 $0x380, v15;
	v11 =	vand.u32 $0x3800, v11;
	v14 =	vand.u32 $0x380, v16;
	[tilespmem:v22+s22+$0x0] =	vst.idx.msk $0xffff, v19  }
0x9c: {  	s4 =	sadd.s32 $0x4, s3;
	v11 =	vor.u32 v11, v14;
	v14 =	vor.u32 v12, v15;
	v15 =	vor.u32 v4, v13  }
0x9d: {  	s5 =	sadd.s32 $0x3, s3;
	v12 =	vadd.s32 s4, v0;
	v13 =	vor.u32 v4, v11;
	v16 =	vor.u32 v4, v14  }
.Ltmp5:
0x9e: {  	v11 =	vadd.s32 s5, v0;
	v14 =	vshll.u32 v12, $0x8;
	v17 =	vshll.u32 v12, $0x7;
	(pc) =	sbr.rel @p3 .LBB2_8-.Ltmp5, $4  }
0x9f: {  	v18 =	vshll.u32 v11, $0x8;
	v19 =	vshll.u32 v11, $0x7;
	v20 =	vand.u32 $0x3800, v14  }
0xa0: {  	s4 =	sadd.s32 $0x2, s3;
	v17 =	vand.u32 $0x380, v17;
	v18 =	vand.u32 $0x3800, v18;
	v19 =	vand.u32 $0x380, v19  }
0xa1: {  	v14 =	vadd.s32 s4, v0;
	v20 =	vor.u32 v20, v17;
	v18 =	vor.u32 v18, v19  }
0xa2: {  	s4 =	sadd.s32 $0x1, s3;
	s3 =	sadd.s32 $0x8, s3;
	v19 =	vshll.u32 v14, $0x8;
	v17 =	vor.u32 v4, v18;
	v18 =	vor.u32 v4, v20  }
0xa3: {  	_ = 	snop  }
0xa4: {  	v6 =	vadd.s32 s4, v0;
	v19 =	vand.u32 $0x3800, v19  }
0xa5: {  	v20 =	vshll.u32 v14, $0x7;
	v7 =	vand.u32 $0x3F, v7;
	v9 =	vand.u32 $0x3F, v9  }
0xa6: {  	v21 =	vshll.u32 v6, $0x8;
	v22 =	vshll.u32 v6, $0x7;
	v20 =	vand.u32 $0x380, v20  }
0xa7: {  	v10 =	vld.idx.msk [tilespmem:v10+s20+$0x0], $0xffff;
	v21 =	vand.u32 $0x3800, v21;
	v22 =	vand.u32 $0x380, v22;
	v19 =	vor.u32 v19, v20  }
0xa8: {  	v15 =	vld.idx.msk [tilespmem:v15+s20+$0x0], $0xffff;
	v7 =	vor.u32 v7, v3;
	v59 =	vor.u32 v21, v22;
	v19 =	vor.u32 v4, v19  }
0xa9: {  	v16 =	vld.idx.msk [tilespmem:v16+s20+$0x0], $0xffff;
	v8 =	vand.u32 $0x3F, v8;
	v9 =	vor.u32 v9, v3;
	v60 =	vor.u32 v4, v59  }
0xaa: {  	v13 =	vld.idx.msk [tilespmem:v13+s20+$0x0], $0xffff;
	v12 =	vand.u32 $0x3F, v12;
	v8 =	vor.u32 v8, v3  }
0xab: {  	v18 =	vld.idx.msk [tilespmem:v18+s20+$0x0], $0xffff;
	v11 =	vand.u32 $0x3F, v11;
	v12 =	vor.u32 v12, v3  }
0xac: {  	v17 =	vld.idx.msk [tilespmem:v17+s20+$0x0], $0xffff;
	v61 =	vand.u32 $0x3F, v14;
	v62 =	vor.u32 v11, v3;
	[tilespmem:v5+s22+$0x0] =	vst.idx.msk $0xffff, v10  }
0xad: {  	s0 =	sadd.s32 $0x1, s0;
	v6 =	vand.u32 $0x3F, v6;
	v5 =	vor.u32 v61, v3;
	[tilespmem:v7+s22+$0x0] =	vst.idx.msk $0xffff, v15;
	v63 =	vld.idx.msk [tilespmem:v19+s20+$0x0], $0xffff  }
0xae: {  	p3 =	sne.s32 s0, $0x10;
	v3 =	vor.u32 v6, v3;
	[tilespmem:v9+s22+$0x0] =	vst.idx.msk $0xffff, v16;
	v4 =	vld.idx.msk [tilespmem:v60+s20+$0x0], $0xffff  }
.Ltmp6:
0xaf: {  	[tilespmem:v8+s22+$0x0] =	vst.idx.msk $0xffff, v13;
	(pc) =	sbr.rel @p3 .LBB2_7-.Ltmp6, $4  }
0xb0: {  	[tilespmem:v12+s22+$0x0] =	vst.idx.msk $0xffff, v18  }
0xb1: {  	[tilespmem:v62+s22+$0x0] =	vst.idx.msk $0xffff, v17  }
0xb2: {  	[tilespmem:v5+s22+$0x0] =	vst.idx.msk $0xffff, v63  }
0xb3: {  	[tilespmem:v3+s22+$0x0] =	vst.idx.msk $0xffff, v4  }
0xb4: {  	s0 =	sshll.u32 s28, $0xB;
	s26 =	sadd.s32 $0x1, s26  }
0xb5: {  	s0 =	sand.u32 $0x1FFFF800, s0;
	p3 =	slt.s32 s26, s12  }
.Ltmp7:
0xb6: {  	s31 =	sshll.u32 s29, $0x8;
	s0 =	sadd.s32 s6, s0;
	(pc) =	sbr.rel @p3 .LBB2_2-.Ltmp7, $4  }
0xb7: {  	[hbm4b:s0+s9] =	stream.linear.scatter [tilespmem:s22], [sflag:$0x2], $0x4000, $0x38;
	[tilespmem:$0x10000] =	vst v63  }
0xb8: {  	s0 =	sand.u32 $0x1FFFFF00, s31  }
0xb9: {  	s0 =	sadd.s32 s1, s0  }
0xba: {  	[tilespmem:s20], [sflag:$0x1] =	stream.strided.gather [hbm4b:s0+s18], $0x4000, s19, s18, $0x38;
	[tilespmem:$0x10000] =	vst v63  }
.LBB2_11:
0xbb: {  	_ =	swait.ge [sflag:s23], $0x4000  }
0xbc: {  	[sflag:s23] =	ssyncset.done $0x0  }
0xbd: {  	[sflag:s23] =	ssyncadd.s32 $0xFFFFC000  }
0xbe: {  	_ =	swait.ge [sflag:s23], $0x4000  }
0xbf: {  	[sflag:s23] =	ssyncset.done $0x0  }
0xc0: {  	[sflag:s23] =	ssyncadd.s32 $0xFFFFC000  }
0xc1: {  	_ =	swait.ge [sflag:s11], $0x4000  }
0xc2: {  	[sflag:s11] =	ssyncset.done $0x0  }
0xc3: {  	[sflag:s11] =	ssyncadd.s32 $0xFFFFC000  }
0xc4: {  	_ =	swait.ge [sflag:s11], $0x4000  }
.Ltmp8:
0xc5: {  	[sflag:s11] =	ssyncset.done $0x0;
	(pc) =	sbr.rel @p0 .LBB2_21-.Ltmp8, $4  }
0xc6: {  	s26 =	simm.s32 $0x0;
	[sflag:s11] =	ssyncadd.s32 $0xFFFFC000  }
0xc7: {  	[tilespmem:s26], [sflag:$0x1] =	stream.strided.gather [hbm4b:s15+s18], $0x4000, s19, s18, $0x38;
	[tilespmem:$0x10000] =	vst v63  }
0xc8: {  	_ = 	snop  }
0xc9: {  	[tilespmem:s20], [sflag:$0x1] =	stream.strided.gather [hbm4b:s16+s18], $0x4000, s19, s18, $0x38;
	[tilespmem:$0x10000] =	vst v63  }
.LBB2_12:
0xca: {  	p3 =	seq.s32 s26, $0x0  }
0xcb: {  	s0 =	simm.s32 @!p3 $0x2  }
0xcc: {  	_ =	swait.ge @!p3 [sflag:s0], $0x4000  }
0xcd: {  	s3 =	sshll.u32 s26, $0x1;
	[sflag:s0] =	ssyncset.done @!p3 $0x0  }
0xce: {  	s28 =	smov.u32 s10;
	s30 =	sadd.s32 s7, s3;
	[sflag:s0] =	ssyncadd.s32 @!p3 $0xFFFFC000  }
0xcf: {  	s31 =	smov.u32 s10;
	s3 =	sadd.s32 $0x1, s30;
	_ =	swait.ge @!p3 [sflag:s0], $0x4000  }
0xd0: {  	s29 =	smov.u32 s10;
	p4 =	slt.s32 s3, s10;
	[sflag:s0] =	ssyncset.done @!p3 $0x0  }
0xd1: {  	s28 =	smov.u32 @p4 s3;
	s3 =	sadd.s32 $0x2, s30;
	[sflag:s0] =	ssyncadd.s32 @!p3 $0xFFFFC000  }
0xd2: {  	p3 =	slt.s32 s3, s10;
	s0 =	sadd.s32 $0x3, s30;
	_ =	swait.ge [sflag:s11], $0x4000  }
0xd3: {  	s31 =	smov.u32 @p3 s3;
	p3 =	slt.s32 s0, s10;
	[sflag:s11] =	ssyncset.done $0x0  }
0xd4: {  	s4 =	simm.s32 $0x0;
	s29 =	smov.u32 @p3 s0;
	[sflag:s11] =	ssyncadd.s32 $0xFFFFC000  }
.LBB2_13:
0xd5: {  	s0 =	sshll.u32 s4, $0x4  }
0xd6: {  	s3 =	simm.s32 $0x0;
	s5 =	simm.s32 $0x7;
	v3 =	vmov s0;
	v4 =	vor.u32 s0, v0  }
0xd7: {  	v8 =	vadd.s32 s3, v0;
	v7 =	vadd.s32 s5, v0;
	v5 =	vand.u32 $0x7F, v4  }
0xd8: {  	v3 =	vshll.u32 v3, $0x3;
	v4 =	vshll.u32 v4, $0x6;
	v9 =	vshll.u32 v7, $0x8  }
0xd9: {  	s13 =	simm.s32 $0x6;
	v10 =	vshll.u32 v7, $0x7;
	v3 =	vand.u32 $0x400, v3;
	v6 =	vand.u32 $0x3F80, v4  }
0xda: {  	v11 =	vand.u32 $0x3800, v9;
	v12 =	vand.u32 $0x380, v10;
	v9 =	vadd.s32 s13, v0  }
0xdb: {  	v4 =	vor.u32 v3, v5;
	v3 =	vor.u32 v2, v6;
	v5 =	vand.u32 $0x3F, v8  }
0xdc: {  	v8 =	vshll.u32 v8, $0x8;
	v11 =	vor.u32 v11, v12;
	v12 =	vshll.u32 v9, $0x8  }
0xdd: {  	v13 =	vshll.u32 v9, $0x7;
	v6 =	vor.u32 v1, v4;
	v5 =	vor.u32 v5, v3  }
0xde: {  	s3 =	simm.s32 $0x5;
	v8 =	vand.u32 $0x3800, v8;
	v12 =	vand.u32 $0x3800, v12;
	v13 =	vand.u32 $0x380, v13  }
0xdf: {  	v10 =	vor.u32 v8, v6;
	v8 =	vadd.s32 s3, v0;
	s3 =	simm.s32 $0x4;
	v16 =	vor.u32 v12, v13  }
0xe0: {  	v14 =	vshll.u32 v8, $0x8;
	v15 =	vshll.u32 v8, $0x7;
	v12 =	vadd.s32 s3, v0  }
0xe1: {  	v16 =	vor.u32 v4, v16;
	v14 =	vand.u32 $0x3800, v14;
	v15 =	vand.u32 $0x380, v15  }
0xe2: {  	s5 =	simm.s32 $0x3;
	v17 =	vshll.u32 v12, $0x7;
	v14 =	vor.u32 v14, v15;
	v15 =	vor.u32 v4, v11  }
0xe3: {  	v11 =	vadd.s32 s5, v0;
	v17 =	vand.u32 $0x380, v17;
	v13 =	vor.u32 v4, v14  }
0xe4: {  	v14 =	vshll.u32 v12, $0x8;
	v18 =	vshll.u32 v11, $0x8;
	v19 =	vshll.u32 v11, $0x7  }
0xe5: {  	s13 =	simm.s32 $0x2;
	v20 =	vand.u32 $0x3800, v14;
	v18 =	vand.u32 $0x3800, v18;
	v19 =	vand.u32 $0x380, v19  }
0xe6: {  	v14 =	vadd.s32 s13, v0;
	v18 =	vor.u32 v18, v19;
	v20 =	vor.u32 v20, v17  }
0xe7: {  	s0 =	simm.s32 $0x8;
	s3 =	simm.s32 $0x1;
	v19 =	vshll.u32 v14, $0x8;
	v17 =	vor.u32 v4, v18;
	v18 =	vor.u32 v4, v20  }
.LBB2_14:
0xe8: {  	p3 =	slt.u32 s0, $0x38;
	v20 =	vadd.s32 s3, v0;
	v19 =	vand.u32 $0x3800, v19;
	v21 =	vshll.u32 v14, $0x7  }
0xe9: {  	v22 =	vshll.u32 v20, $0x8;
	v23 =	vshll.u32 v20, $0x7;
	v21 =	vand.u32 $0x380, v21  }
0xea: {  	v10 =	vld.idx.msk [tilespmem:v10+s9+$0x0], $0xffff;
	v22 =	vand.u32 $0x3800, v22;
	v23 =	vand.u32 $0x380, v23;
	v19 =	vor.u32 v19, v21  }
0xeb: {  	v7 =	vand.u32 $0x3F, v7;
	v21 =	vor.u32 v22, v23;
	v19 =	vor.u32 v4, v19;
	v15 =	vld.idx.msk [tilespmem:v15+s9+$0x0], $0xffff  }
0xec: {  	v9 =	vand.u32 $0x3F, v9;
	v22 =	vor.u32 v7, v3;
	v21 =	vor.u32 v4, v21;
	v16 =	vld.idx.msk [tilespmem:v16+s9+$0x0], $0xffff  }
0xed: {  	v8 =	vand.u32 $0x3F, v8;
	v9 =	vor.u32 v9, v3;
	v7 =	vadd.s32 s0, v0;
	v13 =	vld.idx.msk [tilespmem:v13+s9+$0x0], $0xffff  }
0xee: {  	v12 =	vand.u32 $0x3F, v12;
	v8 =	vor.u32 v8, v3;
	v23 =	vand.u32 $0x3F, v7;
	v18 =	vld.idx.msk [tilespmem:v18+s9+$0x0], $0xffff  }
0xef: {  	v11 =	vand.u32 $0x3F, v11;
	v12 =	vor.u32 v12, v3;
	v23 =	vor.u32 v23, v3;
	v17 =	vld.idx.msk [tilespmem:v17+s9+$0x0], $0xffff  }
0xf0: {  	s3 =	sadd.s32 $0x7, s0;
	v25 =	vand.u32 $0x3F, v14;
	v11 =	vor.u32 v11, v3;
	v24 =	vshll.u32 v7, $0x8;
	[tilespmem:v5+s21+$0x0] =	vst.idx.msk $0xffff, v10;
	v14 =	vld.idx.msk [tilespmem:v19+s9+$0x0], $0xffff  }
0xf1: {  	v7 =	vadd.s32 s3, v0;
	v10 =	vand.u32 $0x3F, v20;
	v20 =	vor.u32 v25, v3;
	v19 =	vld.idx.msk [tilespmem:v21+s9+$0x0], $0xffff;
	[tilespmem:v22+s21+$0x0] =	vst.idx.msk $0xffff, v15  }
0xf2: {  	v5 =	vmovc v23;
	v15 =	vshll.u32 v7, $0x8;
	v21 =	vshll.u32 v7, $0x7;
	v22 =	vor.u32 v10, v3;
	[tilespmem:v9+s21+$0x0] =	vst.idx.msk $0xffff, v16  }
0xf3: {  	s3 =	sadd.s32 $0x6, s0;
	v9 =	vand.u32 $0x3800, v24;
	v15 =	vand.u32 $0x3800, v15;
	v16 =	vand.u32 $0x380, v21;
	[tilespmem:v8+s21+$0x0] =	vst.idx.msk $0xffff, v13  }
0xf4: {  	s5 =	sadd.s32 $0x5, s0;
	v10 =	vor.u32 v9, v6;
	v9 =	vadd.s32 s3, v0;
	v13 =	vor.u32 v15, v16;
	[tilespmem:v12+s21+$0x0] =	vst.idx.msk $0xffff, v18  }
0xf5: {  	v8 =	vadd.s32 s5, v0;
	v12 =	vshll.u32 v9, $0x8;
	v15 =	vshll.u32 v9, $0x7;
	[tilespmem:v11+s21+$0x0] =	vst.idx.msk $0xffff, v17  }
0xf6: {  	v16 =	vshll.u32 v8, $0x7;
	v11 =	vshll.u32 v8, $0x8;
	v12 =	vand.u32 $0x3800, v12;
	[tilespmem:v20+s21+$0x0] =	vst.idx.msk $0xffff, v14  }
0xf7: {  	v15 =	vand.u32 $0x380, v15;
	v11 =	vand.u32 $0x3800, v11;
	v14 =	vand.u32 $0x380, v16;
	[tilespmem:v22+s21+$0x0] =	vst.idx.msk $0xffff, v19  }
0xf8: {  	s3 =	sadd.s32 $0x4, s0;
	v11 =	vor.u32 v11, v14;
	v14 =	vor.u32 v12, v15;
	v15 =	vor.u32 v4, v13  }
0xf9: {  	s5 =	sadd.s32 $0x3, s0;
	v12 =	vadd.s32 s3, v0;
	v13 =	vor.u32 v4, v11;
	v16 =	vor.u32 v4, v14  }
.Ltmp9:
0xfa: {  	v11 =	vadd.s32 s5, v0;
	v14 =	vshll.u32 v12, $0x8;
	v17 =	vshll.u32 v12, $0x7;
	(pc) =	sbr.rel @p3 .LBB2_14-.Ltmp9, $4  }
0xfb: {  	v18 =	vshll.u32 v11, $0x8;
	v19 =	vshll.u32 v11, $0x7;
	v20 =	vand.u32 $0x3800, v14  }
0xfc: {  	s3 =	sadd.s32 $0x2, s0;
	v17 =	vand.u32 $0x380, v17;
	v18 =	vand.u32 $0x3800, v18;
	v19 =	vand.u32 $0x380, v19  }
0xfd: {  	v14 =	vadd.s32 s3, v0;
	v20 =	vor.u32 v20, v17;
	v18 =	vor.u32 v18, v19  }
0xfe: {  	s3 =	sadd.s32 $0x1, s0;
	s0 =	sadd.s32 $0x8, s0;
	v19 =	vshll.u32 v14, $0x8;
	v17 =	vor.u32 v4, v18;
	v18 =	vor.u32 v4, v20  }
0xff: {  	_ = 	snop  }
0x100: {  	v6 =	vadd.s32 s3, v0;
	v19 =	vand.u32 $0x3800, v19  }
0x101: {  	v20 =	vshll.u32 v14, $0x7;
	v7 =	vand.u32 $0x3F, v7;
	v9 =	vand.u32 $0x3F, v9  }
0x102: {  	v21 =	vshll.u32 v6, $0x8;
	v22 =	vshll.u32 v6, $0x7;
	v20 =	vand.u32 $0x380, v20  }
0x103: {  	v10 =	vld.idx.msk [tilespmem:v10+s9+$0x0], $0xffff;
	v21 =	vand.u32 $0x3800, v21;
	v22 =	vand.u32 $0x380, v22;
	v19 =	vor.u32 v19, v20  }
0x104: {  	v15 =	vld.idx.msk [tilespmem:v15+s9+$0x0], $0xffff;
	v7 =	vor.u32 v7, v3;
	v59 =	vor.u32 v21, v22;
	v19 =	vor.u32 v4, v19  }
0x105: {  	v16 =	vld.idx.msk [tilespmem:v16+s9+$0x0], $0xffff;
	v8 =	vand.u32 $0x3F, v8;
	v9 =	vor.u32 v9, v3;
	v60 =	vor.u32 v4, v59  }
0x106: {  	v13 =	vld.idx.msk [tilespmem:v13+s9+$0x0], $0xffff;
	v12 =	vand.u32 $0x3F, v12;
	v8 =	vor.u32 v8, v3  }
0x107: {  	v18 =	vld.idx.msk [tilespmem:v18+s9+$0x0], $0xffff;
	v11 =	vand.u32 $0x3F, v11;
	v12 =	vor.u32 v12, v3  }
0x108: {  	v17 =	vld.idx.msk [tilespmem:v17+s9+$0x0], $0xffff;
	v61 =	vand.u32 $0x3F, v14;
	v62 =	vor.u32 v11, v3;
	[tilespmem:v5+s21+$0x0] =	vst.idx.msk $0xffff, v10  }
0x109: {  	s4 =	sadd.s32 $0x1, s4;
	v6 =	vand.u32 $0x3F, v6;
	v5 =	vor.u32 v61, v3;
	[tilespmem:v7+s21+$0x0] =	vst.idx.msk $0xffff, v15;
	v63 =	vld.idx.msk [tilespmem:v19+s9+$0x0], $0xffff  }
0x10a: {  	p3 =	sne.s32 s4, $0x10;
	v3 =	vor.u32 v6, v3;
	[tilespmem:v9+s21+$0x0] =	vst.idx.msk $0xffff, v16;
	v4 =	vld.idx.msk [tilespmem:v60+s9+$0x0], $0xffff  }
.Ltmp10:
0x10b: {  	[tilespmem:v8+s21+$0x0] =	vst.idx.msk $0xffff, v13;
	(pc) =	sbr.rel @p3 .LBB2_13-.Ltmp10, $4  }
0x10c: {  	[tilespmem:v12+s21+$0x0] =	vst.idx.msk $0xffff, v18  }
0x10d: {  	[tilespmem:v62+s21+$0x0] =	vst.idx.msk $0xffff, v17  }
0x10e: {  	[tilespmem:v5+s21+$0x0] =	vst.idx.msk $0xffff, v63  }
0x10f: {  	[tilespmem:v3+s21+$0x0] =	vst.idx.msk $0xffff, v4  }
0x110: {  	s0 =	sshll.u32 s30, $0xB  }
0x111: {  	s0 =	sand.u32 $0x1FFFF800, s0  }
0x112: {  	s30 =	simm.s32 $0x0;
	s31 =	sshll.u32 s31, $0x8;
	s0 =	sadd.s32 s8, s0  }
0x113: {  	[hbm4b:s0+s30] =	stream.linear.scatter [tilespmem:s21], [sflag:$0x2], $0x4000, $0x38;
	[tilespmem:$0x10000] =	vst v63  }
0x114: {  	s0 =	sand.u32 $0x1FFFFF00, s31  }
0x115: {  	s0 =	sadd.s32 s2, s0  }
0x116: {  	[tilespmem:s30], [sflag:$0x1] =	stream.strided.gather [hbm4b:s0+s18], $0x4000, s19, s18, $0x38;
	[tilespmem:$0x10000] =	vst v63  }
0x117: {  	_ =	swait.ge [sflag:s11], $0x4000  }
0x118: {  	[sflag:s11] =	ssyncset.done $0x0  }
0x119: {  	s0 =	simm.s32 $0x0;
	[sflag:s11] =	ssyncadd.s32 $0xFFFFC000  }
.LBB2_17:
0x11a: {  	s3 =	sshll.u32 s0, $0x4  }
0x11b: {  	v8 =	vadd.s32 s30, v0;
	s13 =	simm.s32 $0x7;
	v4 =	vor.u32 s3, v0  }
0x11c: {  	v3 =	vmov s3;
	v7 =	vadd.s32 s13, v0;
	v5 =	vand.u32 $0x7F, v4  }
0x11d: {  	v3 =	vshll.u32 v3, $0x3;
	v4 =	vshll.u32 v4, $0x6;
	v9 =	vshll.u32 v7, $0x8  }
0x11e: {  	s31 =	simm.s32 $0x6;
	v10 =	vshll.u32 v7, $0x7;
	v3 =	vand.u32 $0x400, v3;
	v6 =	vand.u32 $0x3F80, v4  }
0x11f: {  	v11 =	vand.u32 $0x3800, v9;
	v12 =	vand.u32 $0x380, v10;
	v9 =	vadd.s32 s31, v0  }
0x120: {  	v4 =	vor.u32 v3, v5;
	v3 =	vor.u32 v2, v6;
	v5 =	vand.u32 $0x3F, v8  }
0x121: {  	v8 =	vshll.u32 v8, $0x8;
	v11 =	vor.u32 v11, v12;
	v12 =	vshll.u32 v9, $0x8  }
0x122: {  	v13 =	vshll.u32 v9, $0x7;
	v6 =	vor.u32 v1, v4;
	v5 =	vor.u32 v5, v3  }
0x123: {  	s4 =	simm.s32 $0x5;
	v8 =	vand.u32 $0x3800, v8;
	v12 =	vand.u32 $0x3800, v12;
	v13 =	vand.u32 $0x380, v13  }
0x124: {  	s5 =	simm.s32 $0x4;
	v10 =	vor.u32 v8, v6;
	v8 =	vadd.s32 s4, v0;
	v16 =	vor.u32 v12, v13  }
0x125: {  	v12 =	vadd.s32 s5, v0;
	v14 =	vshll.u32 v8, $0x8;
	v15 =	vshll.u32 v8, $0x7  }
0x126: {  	v17 =	vshll.u32 v12, $0x7;
	v14 =	vand.u32 $0x3800, v14;
	v15 =	vand.u32 $0x380, v15  }
0x127: {  	s13 =	simm.s32 $0x3;
	v16 =	vor.u32 v4, v16;
	v17 =	vand.u32 $0x380, v17;
	v14 =	vor.u32 v14, v15  }
0x128: {  	v15 =	vor.u32 v4, v11;
	v11 =	vadd.s32 s13, v0;
	v13 =	vor.u32 v4, v14  }
0x129: {  	v14 =	vshll.u32 v12, $0x8;
	v18 =	vshll.u32 v11, $0x8;
	v19 =	vshll.u32 v11, $0x7  }
0x12a: {  	s31 =	simm.s32 $0x2;
	v20 =	vand.u32 $0x3800, v14;
	v18 =	vand.u32 $0x3800, v18;
	v19 =	vand.u32 $0x380, v19  }
0x12b: {  	v14 =	vadd.s32 s31, v0;
	v18 =	vor.u32 v18, v19;
	v20 =	vor.u32 v20, v17  }
0x12c: {  	s3 =	simm.s32 $0x8;
	s4 =	simm.s32 $0x1;
	v19 =	vshll.u32 v14, $0x8;
	v17 =	vor.u32 v4, v18;
	v18 =	vor.u32 v4, v20  }
.LBB2_18:
0x12d: {  	p3 =	slt.u32 s3, $0x38;
	v20 =	vadd.s32 s4, v0;
	v19 =	vand.u32 $0x3800, v19;
	v21 =	vshll.u32 v14, $0x7  }
0x12e: {  	v22 =	vshll.u32 v20, $0x8;
	v23 =	vshll.u32 v20, $0x7;
	v21 =	vand.u32 $0x380, v21  }
0x12f: {  	v10 =	vld.idx.msk [tilespmem:v10+s20+$0x0], $0xffff;
	v22 =	vand.u32 $0x3800, v22;
	v23 =	vand.u32 $0x380, v23;
	v19 =	vor.u32 v19, v21  }
0x130: {  	v7 =	vand.u32 $0x3F, v7;
	v21 =	vor.u32 v22, v23;
	v19 =	vor.u32 v4, v19;
	v15 =	vld.idx.msk [tilespmem:v15+s20+$0x0], $0xffff  }
0x131: {  	v9 =	vand.u32 $0x3F, v9;
	v22 =	vor.u32 v7, v3;
	v21 =	vor.u32 v4, v21;
	v16 =	vld.idx.msk [tilespmem:v16+s20+$0x0], $0xffff  }
0x132: {  	v8 =	vand.u32 $0x3F, v8;
	v9 =	vor.u32 v9, v3;
	v7 =	vadd.s32 s3, v0;
	v13 =	vld.idx.msk [tilespmem:v13+s20+$0x0], $0xffff  }
0x133: {  	v12 =	vand.u32 $0x3F, v12;
	v8 =	vor.u32 v8, v3;
	v23 =	vand.u32 $0x3F, v7;
	v18 =	vld.idx.msk [tilespmem:v18+s20+$0x0], $0xffff  }
0x134: {  	v11 =	vand.u32 $0x3F, v11;
	v12 =	vor.u32 v12, v3;
	v23 =	vor.u32 v23, v3;
	v17 =	vld.idx.msk [tilespmem:v17+s20+$0x0], $0xffff  }
0x135: {  	s4 =	sadd.s32 $0x7, s3;
	v25 =	vand.u32 $0x3F, v14;
	v11 =	vor.u32 v11, v3;
	v24 =	vshll.u32 v7, $0x8;
	[tilespmem:v5+s22+$0x0] =	vst.idx.msk $0xffff, v10;
	v14 =	vld.idx.msk [tilespmem:v19+s20+$0x0], $0xffff  }
0x136: {  	v7 =	vadd.s32 s4, v0;
	v10 =	vand.u32 $0x3F, v20;
	v20 =	vor.u32 v25, v3;
	v19 =	vld.idx.msk [tilespmem:v21+s20+$0x0], $0xffff;
	[tilespmem:v22+s22+$0x0] =	vst.idx.msk $0xffff, v15  }
0x137: {  	v5 =	vmovc v23;
	v15 =	vshll.u32 v7, $0x8;
	v21 =	vshll.u32 v7, $0x7;
	v22 =	vor.u32 v10, v3;
	[tilespmem:v9+s22+$0x0] =	vst.idx.msk $0xffff, v16  }
0x138: {  	s4 =	sadd.s32 $0x6, s3;
	v9 =	vand.u32 $0x3800, v24;
	v15 =	vand.u32 $0x3800, v15;
	v16 =	vand.u32 $0x380, v21;
	[tilespmem:v8+s22+$0x0] =	vst.idx.msk $0xffff, v13  }
0x139: {  	s5 =	sadd.s32 $0x5, s3;
	v10 =	vor.u32 v9, v6;
	v9 =	vadd.s32 s4, v0;
	v13 =	vor.u32 v15, v16;
	[tilespmem:v12+s22+$0x0] =	vst.idx.msk $0xffff, v18  }
0x13a: {  	v8 =	vadd.s32 s5, v0;
	v12 =	vshll.u32 v9, $0x8;
	v15 =	vshll.u32 v9, $0x7;
	[tilespmem:v11+s22+$0x0] =	vst.idx.msk $0xffff, v17  }
0x13b: {  	v16 =	vshll.u32 v8, $0x7;
	v11 =	vshll.u32 v8, $0x8;
	v12 =	vand.u32 $0x3800, v12;
	[tilespmem:v20+s22+$0x0] =	vst.idx.msk $0xffff, v14  }
0x13c: {  	v15 =	vand.u32 $0x380, v15;
	v11 =	vand.u32 $0x3800, v11;
	v14 =	vand.u32 $0x380, v16;
	[tilespmem:v22+s22+$0x0] =	vst.idx.msk $0xffff, v19  }
0x13d: {  	s4 =	sadd.s32 $0x4, s3;
	v11 =	vor.u32 v11, v14;
	v14 =	vor.u32 v12, v15;
	v15 =	vor.u32 v4, v13  }
0x13e: {  	s5 =	sadd.s32 $0x3, s3;
	v12 =	vadd.s32 s4, v0;
	v13 =	vor.u32 v4, v11;
	v16 =	vor.u32 v4, v14  }
.Ltmp11:
0x13f: {  	v11 =	vadd.s32 s5, v0;
	v14 =	vshll.u32 v12, $0x8;
	v17 =	vshll.u32 v12, $0x7;
	(pc) =	sbr.rel @p3 .LBB2_18-.Ltmp11, $4  }
0x140: {  	v18 =	vshll.u32 v11, $0x8;
	v19 =	vshll.u32 v11, $0x7;
	v20 =	vand.u32 $0x3800, v14  }
0x141: {  	s4 =	sadd.s32 $0x2, s3;
	v17 =	vand.u32 $0x380, v17;
	v18 =	vand.u32 $0x3800, v18;
	v19 =	vand.u32 $0x380, v19  }
0x142: {  	v14 =	vadd.s32 s4, v0;
	v20 =	vor.u32 v20, v17;
	v18 =	vor.u32 v18, v19  }
0x143: {  	s4 =	sadd.s32 $0x1, s3;
	s3 =	sadd.s32 $0x8, s3;
	v19 =	vshll.u32 v14, $0x8;
	v17 =	vor.u32 v4, v18;
	v18 =	vor.u32 v4, v20  }
0x144: {  	_ = 	snop  }
0x145: {  	v6 =	vadd.s32 s4, v0;
	v19 =	vand.u32 $0x3800, v19  }
0x146: {  	v20 =	vshll.u32 v14, $0x7;
	v7 =	vand.u32 $0x3F, v7;
	v9 =	vand.u32 $0x3F, v9  }
0x147: {  	v21 =	vshll.u32 v6, $0x8;
	v22 =	vshll.u32 v6, $0x7;
	v20 =	vand.u32 $0x380, v20  }
0x148: {  	v10 =	vld.idx.msk [tilespmem:v10+s20+$0x0], $0xffff;
	v21 =	vand.u32 $0x3800, v21;
	v22 =	vand.u32 $0x380, v22;
	v19 =	vor.u32 v19, v20  }
0x149: {  	v15 =	vld.idx.msk [tilespmem:v15+s20+$0x0], $0xffff;
	v7 =	vor.u32 v7, v3;
	v59 =	vor.u32 v21, v22;
	v19 =	vor.u32 v4, v19  }
0x14a: {  	v16 =	vld.idx.msk [tilespmem:v16+s20+$0x0], $0xffff;
	v8 =	vand.u32 $0x3F, v8;
	v9 =	vor.u32 v9, v3;
	v60 =	vor.u32 v4, v59  }
0x14b: {  	v13 =	vld.idx.msk [tilespmem:v13+s20+$0x0], $0xffff;
	v12 =	vand.u32 $0x3F, v12;
	v8 =	vor.u32 v8, v3  }
0x14c: {  	v18 =	vld.idx.msk [tilespmem:v18+s20+$0x0], $0xffff;
	v11 =	vand.u32 $0x3F, v11;
	v12 =	vor.u32 v12, v3  }
0x14d: {  	v17 =	vld.idx.msk [tilespmem:v17+s20+$0x0], $0xffff;
	v61 =	vand.u32 $0x3F, v14;
	v62 =	vor.u32 v11, v3;
	[tilespmem:v5+s22+$0x0] =	vst.idx.msk $0xffff, v10  }
0x14e: {  	s0 =	sadd.s32 $0x1, s0;
	v6 =	vand.u32 $0x3F, v6;
	v5 =	vor.u32 v61, v3;
	[tilespmem:v7+s22+$0x0] =	vst.idx.msk $0xffff, v15;
	v63 =	vld.idx.msk [tilespmem:v19+s20+$0x0], $0xffff  }
0x14f: {  	p3 =	sne.s32 s0, $0x10;
	v3 =	vor.u32 v6, v3;
	[tilespmem:v9+s22+$0x0] =	vst.idx.msk $0xffff, v16;
	v4 =	vld.idx.msk [tilespmem:v60+s20+$0x0], $0xffff  }
.Ltmp12:
0x150: {  	[tilespmem:v8+s22+$0x0] =	vst.idx.msk $0xffff, v13;
	(pc) =	sbr.rel @p3 .LBB2_17-.Ltmp12, $4  }
0x151: {  	[tilespmem:v12+s22+$0x0] =	vst.idx.msk $0xffff, v18  }
0x152: {  	[tilespmem:v62+s22+$0x0] =	vst.idx.msk $0xffff, v17  }
0x153: {  	[tilespmem:v5+s22+$0x0] =	vst.idx.msk $0xffff, v63  }
0x154: {  	[tilespmem:v3+s22+$0x0] =	vst.idx.msk $0xffff, v4  }
0x155: {  	s0 =	sshll.u32 s28, $0xB;
	s26 =	sadd.s32 $0x1, s26  }
0x156: {  	s0 =	sand.u32 $0x1FFFF800, s0;
	p3 =	slt.s32 s26, s12  }
.Ltmp13:
0x157: {  	s31 =	sshll.u32 s29, $0x8;
	s0 =	sadd.s32 s8, s0;
	(pc) =	sbr.rel @p3 .LBB2_12-.Ltmp13, $4  }
0x158: {  	[hbm4b:s0+s9] =	stream.linear.scatter [tilespmem:s22], [sflag:$0x2], $0x4000, $0x38;
	[tilespmem:$0x10000] =	vst v63  }
0x159: {  	s0 =	sand.u32 $0x1FFFFF00, s31  }
0x15a: {  	s0 =	sadd.s32 s2, s0  }
0x15b: {  	[tilespmem:s20], [sflag:$0x1] =	stream.strided.gather [hbm4b:s0+s18], $0x4000, s19, s18, $0x38;
	[tilespmem:$0x10000] =	vst v63  }
.LBB2_21:
0x15c: {  	_ =	swait.ge [sflag:s23], $0x4000  }
0x15d: {  	[sflag:s23] =	ssyncset.done $0x0  }
0x15e: {  	[sflag:s23] =	ssyncadd.s32 $0xFFFFC000  }
0x15f: {  	_ =	swait.ge [sflag:s23], $0x4000  }
0x160: {  	[sflag:s23] =	ssyncset.done $0x0  }
0x161: {  	[sflag:s23] =	ssyncadd.s32 $0xFFFFC000  }
0x162: {  	_ =	swait.ge [sflag:s11], $0x4000  }
0x163: {  	[sflag:s11] =	ssyncset.done $0x0  }
.Ltmp14:
0x164: {  	[sflag:s11] =	ssyncadd.s32 $0xFFFFC000;
	(pc) =	sbr.rel @p1 .LBB2_24-.Ltmp14, $4  }
0x165: {  	_ =	swait.ge [sflag:s11], $0x4000  }
0x166: {  	[sflag:s11] =	ssyncset.done $0x0  }
0x167: {  	[sflag:s11] =	ssyncadd.s32 $0xFFFFC000  }
0x168: {  	s0 =	smov.u32 s8;
	s3 =	rddreg [dreg:$0x3]  }
.Ltmp15:
0x169: {  	(pc) =	sbr.rel @!p2 .LBB2_23-.Ltmp15, $4  }
.Ltmp16:
0x16a: {  	(pc) =	sbr.rel @p2 .LBB2_25-.Ltmp16, $4  }
0x16b: {  	_ = 	snop  }
0x16c: {  	_ = 	snop  }
0x16d: {  	_ = 	snop  }
0x16e: {  	_ = 	snop  }
.LBB2_26:
0x16f: {  	_ =	sfence.sel $0x180000  }
0x170: {  	[bflag:$0x0] =	sbarrier.arrive $0xFFFF  }
0x171: {  	_ =	strace $0x90000047  }
0x172: {  	s0 =	stileid.u32;
	[bflag:$0x2] =	sbarrier.arrive $0xFFFF  }
0x173: {  	p0 =	sne.s32 s0, $0x0;
	s0 =	rddreg [dreg:$0x6]  }
0x174: {  	s0 =	sadd.s32 @!p0 $0x100000, s0  }
0x175: {  	[sflag:s0] =	ssyncadd.tile.s32 @!p0 $0x1;
	_ =	shalt  }
.Lfunc_end2:
_tile_overlayer_lowered:
.L_overlay_start_2:
0x176: {  	(tag) =	ssettag $0x2  }
0x177: {  	s0 =	rddreg [dreg:$0x0];
	s2 =	stileid.u32  }
0x178: {  	s1 =	rddreg [dreg:$0x1];
	p0 =	sne.s32 s2, $0x0  }
0x179: {  	s3 =	rddreg [dreg:$0x2];
	[bflag:$0x3] =	sbarrier.arrive $0xFFFF;
	s2 =	simm.s32 @!p0 $0x1C03  }
0x17a: {  	[timem:s3], [sflag:s2] =	dma.local @!p0 [hbm:s0], s1  }
0x17b: {  	s0 =	simm.s32 @!p0 $0x3  }
0x17c: {  	_ =	swait.ge @!p0 [sflag:s0], s1  }
0x17d: {  	s1 =	ssub.s32 @!p0 $0x0, s1;
	[sflag:s0] =	ssyncset.done @!p0 $0x0  }
0x17e: {  	[sflag:s0] =	ssyncadd.s32 @!p0 s1  }
0x17f: {  	[bflag:$0x3] =	sbarrier.arrive $0xFFFF  }
0x180: {  	_ =	shalt  }

</sc_bundles>
